<compile_context>
chip_gen: v7x
topology: tpu7x:2x2x1
jax: 0.10.2.dev20260603
libtpu: 0.0.44.dev20260713+nightly
codegen_flags: <defaults>
</compile_context>

<pallas_src>
import jax
import jax.numpy as jnp
from jax import lax
from jax.experimental import pallas as pl
from jax.experimental.pallas import tpu as pltpu
from jax.experimental.pallas import tpu_sc as plsc

_C = 1000
_G = 8
_B = 16384

_NC, _NS, _L = 2, 16, 16
_NW = _NC * _NS
_BPW = _B // _NW
_BLKJ = 40
_NBLK = _C // _BLKJ
_NIC = _BPW // _L

_GDN = lax.GatherDimensionNumbers(
    offset_dims=(), collapsed_slice_dims=(0,), start_index_map=(0,))


def _lane_gather(vec, idx):
    return lax.gather(
        vec, idx[:, None], dimension_numbers=_GDN, slice_sizes=(1,),
        mode=lax.GatherScatterMode.PROMISE_IN_BOUNDS)


def _body(xt_hbm, gids_hbm, wt_hbm, bt_hbm, out_hbm,
          gids_v, w_v, b_v, in0, in1, out0, out1,
          in_sem0, in_sem1, out_sem0, out_sem1):
    wid = lax.axis_index("s") * _NC + lax.axis_index("c")
    ibase = wid * _BPW

    pltpu.sync_copy(gids_hbm.at[pl.ds(ibase, _BPW)], gids_v)
    pltpu.sync_copy(wt_hbm, w_v)
    pltpu.sync_copy(bt_hbm, b_v)

    def in_copy(blk, buf, sem):
        return pltpu.make_async_copy(
            xt_hbm.at[pl.ds(blk * _BLKJ, _BLKJ), pl.ds(ibase, _BPW)],
            buf, sem)

    def out_copy(blk, buf, sem):
        return pltpu.make_async_copy(
            buf, out_hbm.at[pl.ds(blk * _BLKJ, _BLKJ), pl.ds(ibase, _BPW)],
            sem)

    def compute(blk, src, dst):
        @plsc.parallel_loop(0, _BLKJ // 2)
        def _jp(jp):
            jl = 2 * jp
            jg = blk * _BLKJ + jl
            wp = w_v[pl.ds(_G * jg, _L)]
            bp = b_v[pl.ds(_G * jg, _L)]

            @plsc.parallel_loop(0, _NIC, unroll=4)
            def _ic(ic):
                il = ic * _L
                g0 = gids_v[pl.ds(il, _L)]
                g1 = g0 + _G
                x0 = src[jl, pl.ds(il, _L)]
                x1 = src[jl + 1, pl.ds(il, _L)]
                dst[jl, pl.ds(il, _L)] = (
                    x0 * _lane_gather(wp, g0) + _lane_gather(bp, g0))
                dst[jl + 1, pl.ds(il, _L)] = (
                    x1 * _lane_gather(wp, g1) + _lane_gather(bp, g1))

    in_copy(0, in0, in_sem0).start()
    in_copy(1, in1, in_sem1).start()

    in_copy(0, in0, in_sem0).wait()
    compute(0, in0, out0)
    out_copy(0, out0, out_sem0).start()
    in_copy(2, in0, in_sem0).start()

    in_copy(1, in1, in_sem1).wait()
    compute(1, in1, out1)
    out_copy(1, out1, out_sem1).start()
    in_copy(3, in1, in_sem1).start()

    def steady(i, carry):
        g = 2 + 2 * i
        in_copy(g, in0, in_sem0).wait()
        out_copy(g - 2, out0, out_sem0).wait()
        compute(g, in0, out0)
        out_copy(g, out0, out_sem0).start()
        in_copy(g + 2, in0, in_sem0).start()

        h = g + 1
        in_copy(h, in1, in_sem1).wait()
        out_copy(h - 2, out1, out_sem1).wait()
        compute(h, in1, out1)
        out_copy(h, out1, out_sem1).start()
        in_copy(h + 2, in1, in_sem1).start()
        return carry

    lax.fori_loop(0, (_NBLK - 5) // 2, steady, 0)

    g = _NBLK - 3
    in_copy(g, in0, in_sem0).wait()
    out_copy(g - 2, out0, out_sem0).wait()
    compute(g, in0, out0)
    out_copy(g, out0, out_sem0).start()
    in_copy(_NBLK - 1, in0, in_sem0).start()

    h = _NBLK - 2
    in_copy(h, in1, in_sem1).wait()
    out_copy(h - 2, out1, out_sem1).wait()
    compute(h, in1, out1)
    out_copy(h, out1, out_sem1).start()

    k = _NBLK - 1
    in_copy(k, in0, in_sem0).wait()
    out_copy(k - 2, out0, out_sem0).wait()
    compute(k, in0, out0)
    out_copy(k, out0, out_sem0).start()

    out_copy(h, out1, out_sem1).wait()
    out_copy(k, out0, out_sem0).wait()


@jax.jit
def kernel(logits, group_ids, W, b):
    mesh = plsc.VectorSubcoreMesh(core_axis_name="c", subcore_axis_name="s")
    f = pl.kernel(
        _body,
        out_type=jax.ShapeDtypeStruct((_C, _B), jnp.float32),
        mesh=mesh,
        compiler_params=pltpu.CompilerParams(use_tc_tiling_on_sc=True),
        scratch_types=[
            pltpu.VMEM((_BPW,), jnp.int32),
            pltpu.VMEM((_C * _G,), jnp.float32),
            pltpu.VMEM((_C * _G,), jnp.float32),
            pltpu.VMEM((_BLKJ, _BPW), jnp.float32),
            pltpu.VMEM((_BLKJ, _BPW), jnp.float32),
            pltpu.VMEM((_BLKJ, _BPW), jnp.float32),
            pltpu.VMEM((_BLKJ, _BPW), jnp.float32),
            pltpu.SemaphoreType.DMA,
            pltpu.SemaphoreType.DMA,
            pltpu.SemaphoreType.DMA,
            pltpu.SemaphoreType.DMA,
        ],
    )
    out_t = f(
        logits.T,
        group_ids.astype(jnp.int32),
        W.T.reshape(-1),
        b.T.reshape(-1),
    )
    return out_t.T

# --- scband reference (transcript-rebuilt; emitter-appended) ---
"""Pipeline reference for scband-group-vector-scaling-6305011990628 (READ-ONLY COPY).

The authoritative reference and input builder live on the scoring server;
editing this copy changes nothing except your own understanding.
"""

import jax, jax.numpy as jnp
import numpy as np

NUM_CLASSES = 1000
NUM_GROUPS = 8
BATCH = 16384

def setup_inputs(seed: int = 0) -> dict:
    key = jax.random.key(seed)
    k1, k2 = jax.random.split(key)
    logits = jax.random.normal(k1, (BATCH, NUM_CLASSES), dtype=jnp.float32)
    group_ids = jax.random.randint(k2, (BATCH,), 0, NUM_GROUPS, dtype=jnp.int64 if jax.config.jax_enable_x64 else jnp.int32)
    # learned parameters per module __init__: W=ones, b=zeros
    W = jnp.ones((NUM_GROUPS, NUM_CLASSES), dtype=jnp.float32)
    b = jnp.zeros((NUM_GROUPS, NUM_CLASSES), dtype=jnp.float32)
    return {"logits": logits, "group_ids": group_ids, "W": W, "b": b}

def reference(logits, group_ids, W, b):
    # Original loop over groups with boolean-mask scatter is mathematically
    # equivalent (all group_ids in [0, num_groups)) to a row gather of the
    # per-group scale/shift followed by elementwise affine transform.
    W_g = jnp.take(W, group_ids, axis=0)   # [B, C] gather
    b_g = jnp.take(b, group_ids, axis=0)   # [B, C] gather
    calibrated_logits = logits * W_g + b_g
    return calibrated_logits

if __name__ == "__main__":
    import jax
    _d = setup_inputs()
    print(jax.jit(kernel)(*tuple(_d.values())))

</pallas_src>

<mosaic_0001>
#map = affine_map<(d0, d1) -> (0, 0)>
#map1 = affine_map<(d0, d1) -> (0)>
module attributes {stable_mosaic.version = 14 : i64} {
  func.func @_body(%arg0: i32, %arg1: i32, %arg2: memref<1000x16384xf32, #tpu.memory_space<hbm>>, %arg3: memref<16384xi32, #tpu.memory_space<hbm>>, %arg4: memref<8000xf32, #tpu.memory_space<hbm>>, %arg5: memref<8000xf32, #tpu.memory_space<hbm>>, %arg6: memref<1000x16384xf32, #tpu.memory_space<hbm>>, %arg7: memref<512xi32, #tpu.memory_space<vmem>>, %arg8: memref<8000xf32, #tpu.memory_space<vmem>>, %arg9: memref<8000xf32, #tpu.memory_space<vmem>>, %arg10: memref<40x512xf32, #tpu.memory_space<vmem>>, %arg11: memref<40x512xf32, #tpu.memory_space<vmem>>, %arg12: memref<40x512xf32, #tpu.memory_space<vmem>>, %arg13: memref<40x512xf32, #tpu.memory_space<vmem>>, %arg14: memref<!tpu.dma_semaphore, #tpu.memory_space<semaphore_mem>>, %arg15: memref<!tpu.dma_semaphore, #tpu.memory_space<semaphore_mem>>, %arg16: memref<!tpu.dma_semaphore, #tpu.memory_space<semaphore_mem>>, %arg17: memref<!tpu.dma_semaphore, #tpu.memory_space<semaphore_mem>>) attributes {dimension_semantics = [#tpu.dimension_semantics<core_parallel>, #tpu.dimension_semantics<subcore_parallel>], iteration_bounds = array<i64: 2, 16>, scalar_prefetch = 0 : i64, scratch_operands = 11 : i64, tpu.core_type = #tpu.core_type<sc_vector_subcore>, window_params = [{transform_indices = #map}, {transform_indices = #map1}, {transform_indices = #map1}, {transform_indices = #map1}, {transform_indices = #map}]} {
    %mul3A = arith.constant 2 : i32
    %mul3A_0 = arith.muli %arg1, %mul3A : i32
    %add3A = arith.addi %mul3A_0, %arg0 : i32
    %mul3A_1 = arith.constant 512 : i32
    %mul3A_2 = arith.muli %add3A, %mul3A_1 : i32
    "tpu.region"() ({
      %run_scoped3A = tpu.sem_alloc : memref<!tpu.dma_semaphore, #tpu.memory_space<semaphore_mem>>
      %dma_start3A_100 = tpu.memref_slice %arg3[%mul3A_2] : memref<16384xi32, #tpu.memory_space<hbm>> -> memref<512xi32, #tpu.memory_space<hbm>>
      %dma_start3A_101 = tpu.memref_slice %arg3[%mul3A_2] : memref<16384xi32, #tpu.memory_space<hbm>> -> memref<512xi32, #tpu.memory_space<hbm>>
      tpu.enqueue_dma source(%dma_start3A_101 : memref<512xi32, #tpu.memory_space<hbm>>) target(%arg7 : memref<512xi32, #tpu.memory_space<vmem>>) target_semaphore(%run_scoped3A : memref<!tpu.dma_semaphore, #tpu.memory_space<semaphore_mem>>)
      %dma_wait3A_102 = tpu.memref_slice %arg3[%mul3A_2] : memref<16384xi32, #tpu.memory_space<hbm>> -> memref<512xi32, #tpu.memory_space<hbm>>
      %dma_wait3A_103 = tpu.memref_slice %arg3[%mul3A_2] : memref<16384xi32, #tpu.memory_space<hbm>> -> memref<512xi32, #tpu.memory_space<hbm>>
      tpu.wait_dma2 semaphore(%run_scoped3A : memref<!tpu.dma_semaphore, #tpu.memory_space<semaphore_mem>>) src(%dma_wait3A_103 : memref<512xi32, #tpu.memory_space<hbm>>) dst(%arg7 : memref<512xi32, #tpu.memory_space<vmem>>)
      tpu.yield
    }) : () -> ()
    "tpu.region"() ({
      %run_scoped3A = tpu.sem_alloc : memref<!tpu.dma_semaphore, #tpu.memory_space<semaphore_mem>>
      tpu.enqueue_dma source(%arg4 : memref<8000xf32, #tpu.memory_space<hbm>>) target(%arg8 : memref<8000xf32, #tpu.memory_space<vmem>>) target_semaphore(%run_scoped3A : memref<!tpu.dma_semaphore, #tpu.memory_space<semaphore_mem>>)
      tpu.wait_dma2 semaphore(%run_scoped3A : memref<!tpu.dma_semaphore, #tpu.memory_space<semaphore_mem>>) src(%arg4 : memref<8000xf32, #tpu.memory_space<hbm>>) dst(%arg8 : memref<8000xf32, #tpu.memory_space<vmem>>)
      tpu.yield
    }) : () -> ()
    "tpu.region"() ({
      %run_scoped3A = tpu.sem_alloc : memref<!tpu.dma_semaphore, #tpu.memory_space<semaphore_mem>>
      tpu.enqueue_dma source(%arg5 : memref<8000xf32, #tpu.memory_space<hbm>>) target(%arg9 : memref<8000xf32, #tpu.memory_space<vmem>>) target_semaphore(%run_scoped3A : memref<!tpu.dma_semaphore, #tpu.memory_space<semaphore_mem>>)
      tpu.wait_dma2 semaphore(%run_scoped3A : memref<!tpu.dma_semaphore, #tpu.memory_space<semaphore_mem>>) src(%arg5 : memref<8000xf32, #tpu.memory_space<hbm>>) dst(%arg9 : memref<8000xf32, #tpu.memory_space<vmem>>)
      tpu.yield
    }) : () -> ()
    %dma_start3A = arith.constant 0 : i32
    %dma_start3A_3 = tpu.memref_slice %arg2[%dma_start3A, %mul3A_2] : memref<1000x16384xf32, #tpu.memory_space<hbm>> -> memref<40x512xf32, #tpu.memory_space<hbm>>
    %dma_start3A_4 = arith.constant 0 : i32
    %dma_start3A_5 = tpu.memref_slice %arg2[%dma_start3A_4, %mul3A_2] : memref<1000x16384xf32, #tpu.memory_space<hbm>> -> memref<40x512xf32, #tpu.memory_space<hbm>>
    tpu.enqueue_dma source(%dma_start3A_5 : memref<40x512xf32, #tpu.memory_space<hbm>>) target(%arg10 : memref<40x512xf32, #tpu.memory_space<vmem>>) target_semaphore(%arg14 : memref<!tpu.dma_semaphore, #tpu.memory_space<semaphore_mem>>)
    %dma_start3A_6 = arith.constant 40 : i32
    %dma_start3A_7 = tpu.memref_slice %arg2[%dma_start3A_6, %mul3A_2] : memref<1000x16384xf32, #tpu.memory_space<hbm>> -> memref<40x512xf32, #tpu.memory_space<hbm>>
    %dma_start3A_8 = arith.constant 40 : i32
    %dma_start3A_9 = tpu.memref_slice %arg2[%dma_start3A_8, %mul3A_2] : memref<1000x16384xf32, #tpu.memory_space<hbm>> -> memref<40x512xf32, #tpu.memory_space<hbm>>
    tpu.enqueue_dma source(%dma_start3A_9 : memref<40x512xf32, #tpu.memory_space<hbm>>) target(%arg11 : memref<40x512xf32, #tpu.memory_space<vmem>>) target_semaphore(%arg15 : memref<!tpu.dma_semaphore, #tpu.memory_space<semaphore_mem>>)
    %dma_wait3A = arith.constant 0 : i32
    %dma_wait3A_10 = tpu.memref_slice %arg2[%dma_wait3A, %mul3A_2] : memref<1000x16384xf32, #tpu.memory_space<hbm>> -> memref<40x512xf32, #tpu.memory_space<hbm>>
    %dma_wait3A_11 = arith.constant 0 : i32
    %dma_wait3A_12 = tpu.memref_slice %arg2[%dma_wait3A_11, %mul3A_2] : memref<1000x16384xf32, #tpu.memory_space<hbm>> -> memref<40x512xf32, #tpu.memory_space<hbm>>
    tpu.wait_dma2 semaphore(%arg14 : memref<!tpu.dma_semaphore, #tpu.memory_space<semaphore_mem>>) src(%dma_wait3A_12 : memref<40x512xf32, #tpu.memory_space<hbm>>) dst(%arg10 : memref<40x512xf32, #tpu.memory_space<vmem>>)
    %parallel_loop3A = arith.constant 0 : i32
    %parallel_loop3A_13 = arith.constant 20 : i32
    %parallel_loop3A_14 = arith.constant 1 : i32
    scf.for %parallel_loop3A_100 = %parallel_loop3A to %parallel_loop3A_13 step %parallel_loop3A_14  : i32 {
      %parallel_loop3A_101 = arith.constant 2 : i32
      %parallel_loop3A_102 = arith.muli %parallel_loop3A_101, %parallel_loop3A_100 : i32
      %parallel_loop3A_103 = arith.constant 0 : i32
      %parallel_loop3A_104 = arith.addi %parallel_loop3A_103, %parallel_loop3A_102 : i32
      %parallel_loop3A_105 = arith.constant 8 : i32
      %parallel_loop3A_106 = arith.muli %parallel_loop3A_105, %parallel_loop3A_104 : i32
      %parallel_loop3A_107 = arith.index_cast %parallel_loop3A_106 : i32 to index
      %parallel_loop3A_108 = tpu.vector_load %arg8[%parallel_loop3A_107] {strides = array<i32>} : memref<8000xf32, #tpu.memory_space<vmem>>, vector<16xf32>,
      %parallel_loop3A_109 = vector.shape_cast %parallel_loop3A_108 : vector<16xf32> to vector<16xf32>
      %parallel_loop3A_110 = arith.constant 8 : i32
      %parallel_loop3A_111 = arith.muli %parallel_loop3A_110, %parallel_loop3A_104 : i32
      %parallel_loop3A_112 = arith.index_cast %parallel_loop3A_111 : i32 to index
      %parallel_loop3A_113 = tpu.vector_load %arg9[%parallel_loop3A_112] {strides = array<i32>} : memref<8000xf32, #tpu.memory_space<vmem>>, vector<16xf32>,
      %parallel_loop3A_114 = vector.shape_cast %parallel_loop3A_113 : vector<16xf32> to vector<16xf32>
      %parallel_loop3A_115 = arith.constant 0 : i32
      %parallel_loop3A_116 = arith.constant 32 : i32
      %parallel_loop3A_117 = arith.constant 1 : i32
      scf.for %parallel_loop3A_118 = %parallel_loop3A_115 to %parallel_loop3A_116 step %parallel_loop3A_117  : i32 {
        %parallel_loop3A_119 = arith.constant 16 : i32
        %parallel_loop3A_120 = arith.muli %parallel_loop3A_118, %parallel_loop3A_119 : i32
        %parallel_loop3A_121 = arith.index_cast %parallel_loop3A_120 : i32 to index
        %parallel_loop3A_122 = tpu.vector_load %arg7[%parallel_loop3A_121] {strides = array<i32>} : memref<512xi32, #tpu.memory_space<vmem>>, vector<16xi32>,
        %parallel_loop3A_123 = vector.shape_cast %parallel_loop3A_122 : vector<16xi32> to vector<16xi32>
        %parallel_loop3A_124 = arith.constant 8 : i32
        %parallel_loop3A_125 = vector.broadcast %parallel_loop3A_124 : i32 to vector<16xi32>
        %parallel_loop3A_126 = arith.addi %parallel_loop3A_123, %parallel_loop3A_125 : vector<16xi32>
        %parallel_loop3A_127 = arith.index_cast %parallel_loop3A_102 : i32 to index
        %parallel_loop3A_128 = arith.index_cast %parallel_loop3A_120 : i32 to index
        %parallel_loop3A_129 = tpu.vector_load %arg10[%parallel_loop3A_127, %parallel_loop3A_128] {strides = array<i32>} : memref<40x512xf32, #tpu.memory_space<vmem>>, vector<1x16xf32>,
        %parallel_loop3A_130 = vector.shape_cast %parallel_loop3A_129 : vector<1x16xf32> to vector<16xf32>
        %parallel_loop3A_131 = arith.constant 1 : i32
        %parallel_loop3A_132 = arith.addi %parallel_loop3A_102, %parallel_loop3A_131 : i32
        %parallel_loop3A_133 = arith.index_cast %parallel_loop3A_132 : i32 to index
        %parallel_loop3A_134 = arith.index_cast %parallel_loop3A_120 : i32 to index
        %parallel_loop3A_135 = tpu.vector_load %arg10[%parallel_loop3A_133, %parallel_loop3A_134] {strides = array<i32>} : memref<40x512xf32, #tpu.memory_space<vmem>>, vector<1x16xf32>,
        %parallel_loop3A_136 = vector.shape_cast %parallel_loop3A_135 : vector<1x16xf32> to vector<16xf32>
        %parallel_loop3A_137 = vector.shape_cast %parallel_loop3A_123 : vector<16xi32> to vector<16x1xi32>
        %parallel_loop3A_138 = vector.shape_cast %parallel_loop3A_137 : vector<16x1xi32> to vector<16xi32>
        %parallel_loop3A_139 = tpu.dynamic_gather %parallel_loop3A_109[%parallel_loop3A_138] in [0] : vector<16xf32>, vector<16xi32> -> vector<16xf32>
        %parallel_loop3A_140 = arith.mulf %parallel_loop3A_130, %parallel_loop3A_139 : vector<16xf32>
        %parallel_loop3A_141 = vector.shape_cast %parallel_loop3A_123 : vector<16xi32> to vector<16x1xi32>
        %parallel_loop3A_142 = vector.shape_cast %parallel_loop3A_141 : vector<16x1xi32> to vector<16xi32>
        %parallel_loop3A_143 = tpu.dynamic_gather %parallel_loop3A_114[%parallel_loop3A_142] in [0] : vector<16xf32>, vector<16xi32> -> vector<16xf32>
        %parallel_loop3A_144 = arith.addf %parallel_loop3A_140, %parallel_loop3A_143 : vector<16xf32>
        %parallel_loop3A_145 = arith.index_cast %parallel_loop3A_102 : i32 to index
        %parallel_loop3A_146 = arith.index_cast %parallel_loop3A_120 : i32 to index
        %parallel_loop3A_147 = tpu.vector_load %arg12[%parallel_loop3A_145, %parallel_loop3A_146] {strides = array<i32>} : memref<40x512xf32, #tpu.memory_space<vmem>>, vector<1x16xf32>,
        %parallel_loop3A_148 = vector.shape_cast %parallel_loop3A_147 : vector<1x16xf32> to vector<16xf32>
        %parallel_loop3A_149 = vector.shape_cast %parallel_loop3A_144 : vector<16xf32> to vector<1x16xf32>
        tpu.vector_store %arg12[%parallel_loop3A_145, %parallel_loop3A_146], %parallel_loop3A_149 {strides = array<i32>} : memref<40x512xf32, #tpu.memory_space<vmem>>, vector<1x16xf32>,
        %parallel_loop3A_150 = vector.shape_cast %parallel_loop3A_126 : vector<16xi32> to vector<16x1xi32>
        %parallel_loop3A_151 = vector.shape_cast %parallel_loop3A_150 : vector<16x1xi32> to vector<16xi32>
        %parallel_loop3A_152 = tpu.dynamic_gather %parallel_loop3A_109[%parallel_loop3A_151] in [0] : vector<16xf32>, vector<16xi32> -> vector<16xf32>
        %parallel_loop3A_153 = arith.mulf %parallel_loop3A_136, %parallel_loop3A_152 : vector<16xf32>
        %parallel_loop3A_154 = vector.shape_cast %parallel_loop3A_126 : vector<16xi32> to vector<16x1xi32>
        %parallel_loop3A_155 = vector.shape_cast %parallel_loop3A_154 : vector<16x1xi32> to vector<16xi32>
        %parallel_loop3A_156 = tpu.dynamic_gather %parallel_loop3A_114[%parallel_loop3A_155] in [0] : vector<16xf32>, vector<16xi32> -> vector<16xf32>
        %parallel_loop3A_157 = arith.addf %parallel_loop3A_153, %parallel_loop3A_156 : vector<16xf32>
        %parallel_loop3A_158 = arith.constant 1 : i32
        %parallel_loop3A_159 = arith.addi %parallel_loop3A_102, %parallel_loop3A_158 : i32
        %parallel_loop3A_160 = arith.index_cast %parallel_loop3A_159 : i32 to index
        %parallel_loop3A_161 = arith.index_cast %parallel_loop3A_120 : i32 to index
        %parallel_loop3A_162 = tpu.vector_load %arg12[%parallel_loop3A_160, %parallel_loop3A_161] {strides = array<i32>} : memref<40x512xf32, #tpu.memory_space<vmem>>, vector<1x16xf32>,
        %parallel_loop3A_163 = vector.shape_cast %parallel_loop3A_162 : vector<1x16xf32> to vector<16xf32>
        %parallel_loop3A_164 = vector.shape_cast %parallel_loop3A_157 : vector<16xf32> to vector<1x16xf32>
        tpu.vector_store %arg12[%parallel_loop3A_160, %parallel_loop3A_161], %parallel_loop3A_164 {strides = array<i32>} : memref<40x512xf32, #tpu.memory_space<vmem>>, vector<1x16xf32>,
      } {sc.loop_unroll_factor = 4 : i64, sc.parallel_access}
    } {sc.loop_unroll_factor = 1 : i64, sc.parallel_access}
    %dma_start3A_15 = arith.constant 0 : i32
    %dma_start3A_16 = tpu.memref_slice %arg6[%dma_start3A_15, %mul3A_2] : memref<1000x16384xf32, #tpu.memory_space<hbm>> -> memref<40x512xf32, #tpu.memory_space<hbm>>
    %dma_start3A_17 = arith.constant 0 : i32
    %dma_start3A_18 = tpu.memref_slice %arg6[%dma_start3A_17, %mul3A_2] : memref<1000x16384xf32, #tpu.memory_space<hbm>> -> memref<40x512xf32, #tpu.memory_space<hbm>>
    tpu.enqueue_dma source(%arg12 : memref<40x512xf32, #tpu.memory_space<vmem>>) target(%dma_start3A_18 : memref<40x512xf32, #tpu.memory_space<hbm>>) target_semaphore(%arg16 : memref<!tpu.dma_semaphore, #tpu.memory_space<semaphore_mem>>)
    %dma_start3A_19 = arith.constant 80 : i32
    %dma_start3A_20 = tpu.memref_slice %arg2[%dma_start3A_19, %mul3A_2] : memref<1000x16384xf32, #tpu.memory_space<hbm>> -> memref<40x512xf32, #tpu.memory_space<hbm>>
    %dma_start3A_21 = arith.constant 80 : i32
    %dma_start3A_22 = tpu.memref_slice %arg2[%dma_start3A_21, %mul3A_2] : memref<1000x16384xf32, #tpu.memory_space<hbm>> -> memref<40x512xf32, #tpu.memory_space<hbm>>
    tpu.enqueue_dma source(%dma_start3A_22 : memref<40x512xf32, #tpu.memory_space<hbm>>) target(%arg10 : memref<40x512xf32, #tpu.memory_space<vmem>>) target_semaphore(%arg14 : memref<!tpu.dma_semaphore, #tpu.memory_space<semaphore_mem>>)
    %dma_wait3A_23 = arith.constant 40 : i32
    %dma_wait3A_24 = tpu.memref_slice %arg2[%dma_wait3A_23, %mul3A_2] : memref<1000x16384xf32, #tpu.memory_space<hbm>> -> memref<40x512xf32, #tpu.memory_space<hbm>>
    %dma_wait3A_25 = arith.constant 40 : i32
    %dma_wait3A_26 = tpu.memref_slice %arg2[%dma_wait3A_25, %mul3A_2] : memref<1000x16384xf32, #tpu.memory_space<hbm>> -> memref<40x512xf32, #tpu.memory_space<hbm>>
    tpu.wait_dma2 semaphore(%arg15 : memref<!tpu.dma_semaphore, #tpu.memory_space<semaphore_mem>>) src(%dma_wait3A_26 : memref<40x512xf32, #tpu.memory_space<hbm>>) dst(%arg11 : memref<40x512xf32, #tpu.memory_space<vmem>>)
    %parallel_loop3A_27 = arith.constant 0 : i32
    %parallel_loop3A_28 = arith.constant 20 : i32
    %parallel_loop3A_29 = arith.constant 1 : i32
    scf.for %parallel_loop3A_100 = %parallel_loop3A_27 to %parallel_loop3A_28 step %parallel_loop3A_29  : i32 {
      %parallel_loop3A_101 = arith.constant 2 : i32
      %parallel_loop3A_102 = arith.muli %parallel_loop3A_101, %parallel_loop3A_100 : i32
      %parallel_loop3A_103 = arith.constant 40 : i32
      %parallel_loop3A_104 = arith.addi %parallel_loop3A_103, %parallel_loop3A_102 : i32
      %parallel_loop3A_105 = arith.constant 8 : i32
      %parallel_loop3A_106 = arith.muli %parallel_loop3A_105, %parallel_loop3A_104 : i32
      %parallel_loop3A_107 = arith.index_cast %parallel_loop3A_106 : i32 to index
      %parallel_loop3A_108 = tpu.vector_load %arg8[%parallel_loop3A_107] {strides = array<i32>} : memref<8000xf32, #tpu.memory_space<vmem>>, vector<16xf32>,
      %parallel_loop3A_109 = vector.shape_cast %parallel_loop3A_108 : vector<16xf32> to vector<16xf32>
      %parallel_loop3A_110 = arith.constant 8 : i32
      %parallel_loop3A_111 = arith.muli %parallel_loop3A_110, %parallel_loop3A_104 : i32
      %parallel_loop3A_112 = arith.index_cast %parallel_loop3A_111 : i32 to index
      %parallel_loop3A_113 = tpu.vector_load %arg9[%parallel_loop3A_112] {strides = array<i32>} : memref<8000xf32, #tpu.memory_space<vmem>>, vector<16xf32>,
      %parallel_loop3A_114 = vector.shape_cast %parallel_loop3A_113 : vector<16xf32> to vector<16xf32>
      %parallel_loop3A_115 = arith.constant 0 : i32
      %parallel_loop3A_116 = arith.constant 32 : i32
      %parallel_loop3A_117 = arith.constant 1 : i32
      scf.for %parallel_loop3A_118 = %parallel_loop3A_115 to %parallel_loop3A_116 step %parallel_loop3A_117  : i32 {
        %parallel_loop3A_119 = arith.constant 16 : i32
        %parallel_loop3A_120 = arith.muli %parallel_loop3A_118, %parallel_loop3A_119 : i32
        %parallel_loop3A_121 = arith.index_cast %parallel_loop3A_120 : i32 to index
        %parallel_loop3A_122 = tpu.vector_load %arg7[%parallel_loop3A_121] {strides = array<i32>} : memref<512xi32, #tpu.memory_space<vmem>>, vector<16xi32>,
        %parallel_loop3A_123 = vector.shape_cast %parallel_loop3A_122 : vector<16xi32> to vector<16xi32>
        %parallel_loop3A_124 = arith.constant 8 : i32
        %parallel_loop3A_125 = vector.broadcast %parallel_loop3A_124 : i32 to vector<16xi32>
        %parallel_loop3A_126 = arith.addi %parallel_loop3A_123, %parallel_loop3A_125 : vector<16xi32>
        %parallel_loop3A_127 = arith.index_cast %parallel_loop3A_102 : i32 to index
        %parallel_loop3A_128 = arith.index_cast %parallel_loop3A_120 : i32 to index
        %parallel_loop3A_129 = tpu.vector_load %arg11[%parallel_loop3A_127, %parallel_loop3A_128] {strides = array<i32>} : memref<40x512xf32, #tpu.memory_space<vmem>>, vector<1x16xf32>,
        %parallel_loop3A_130 = vector.shape_cast %parallel_loop3A_129 : vector<1x16xf32> to vector<16xf32>
        %parallel_loop3A_131 = arith.constant 1 : i32
        %parallel_loop3A_132 = arith.addi %parallel_loop3A_102, %parallel_loop3A_131 : i32
        %parallel_loop3A_133 = arith.index_cast %parallel_loop3A_132 : i32 to index
        %parallel_loop3A_134 = arith.index_cast %parallel_loop3A_120 : i32 to index
        %parallel_loop3A_135 = tpu.vector_load %arg11[%parallel_loop3A_133, %parallel_loop3A_134] {strides = array<i32>} : memref<40x512xf32, #tpu.memory_space<vmem>>, vector<1x16xf32>,
        %parallel_loop3A_136 = vector.shape_cast %parallel_loop3A_135 : vector<1x16xf32> to vector<16xf32>
        %parallel_loop3A_137 = vector.shape_cast %parallel_loop3A_123 : vector<16xi32> to vector<16x1xi32>
        %parallel_loop3A_138 = vector.shape_cast %parallel_loop3A_137 : vector<16x1xi32> to vector<16xi32>
        %parallel_loop3A_139 = tpu.dynamic_gather %parallel_loop3A_109[%parallel_loop3A_138] in [0] : vector<16xf32>, vector<16xi32> -> vector<16xf32>
        %parallel_loop3A_140 = arith.mulf %parallel_loop3A_130, %parallel_loop3A_139 : vector<16xf32>
        %parallel_loop3A_141 = vector.shape_cast %parallel_loop3A_123 : vector<16xi32> to vector<16x1xi32>
        %parallel_loop3A_142 = vector.shape_cast %parallel_loop3A_141 : vector<16x1xi32> to vector<16xi32>
        %parallel_loop3A_143 = tpu.dynamic_gather %parallel_loop3A_114[%parallel_loop3A_142] in [0] : vector<16xf32>, vector<16xi32> -> vector<16xf32>
        %parallel_loop3A_144 = arith.addf %parallel_loop3A_140, %parallel_loop3A_143 : vector<16xf32>
        %parallel_loop3A_145 = arith.index_cast %parallel_loop3A_102 : i32 to index
        %parallel_loop3A_146 = arith.index_cast %parallel_loop3A_120 : i32 to index
        %parallel_loop3A_147 = tpu.vector_load %arg13[%parallel_loop3A_145, %parallel_loop3A_146] {strides = array<i32>} : memref<40x512xf32, #tpu.memory_space<vmem>>, vector<1x16xf32>,
        %parallel_loop3A_148 = vector.shape_cast %parallel_loop3A_147 : vector<1x16xf32> to vector<16xf32>
        %parallel_loop3A_149 = vector.shape_cast %parallel_loop3A_144 : vector<16xf32> to vector<1x16xf32>
        tpu.vector_store %arg13[%parallel_loop3A_145, %parallel_loop3A_146], %parallel_loop3A_149 {strides = array<i32>} : memref<40x512xf32, #tpu.memory_space<vmem>>, vector<1x16xf32>,
        %parallel_loop3A_150 = vector.shape_cast %parallel_loop3A_126 : vector<16xi32> to vector<16x1xi32>
        %parallel_loop3A_151 = vector.shape_cast %parallel_loop3A_150 : vector<16x1xi32> to vector<16xi32>
        %parallel_loop3A_152 = tpu.dynamic_gather %parallel_loop3A_109[%parallel_loop3A_151] in [0] : vector<16xf32>, vector<16xi32> -> vector<16xf32>
        %parallel_loop3A_153 = arith.mulf %parallel_loop3A_136, %parallel_loop3A_152 : vector<16xf32>
        %parallel_loop3A_154 = vector.shape_cast %parallel_loop3A_126 : vector<16xi32> to vector<16x1xi32>
        %parallel_loop3A_155 = vector.shape_cast %parallel_loop3A_154 : vector<16x1xi32> to vector<16xi32>
        %parallel_loop3A_156 = tpu.dynamic_gather %parallel_loop3A_114[%parallel_loop3A_155] in [0] : vector<16xf32>, vector<16xi32> -> vector<16xf32>
        %parallel_loop3A_157 = arith.addf %parallel_loop3A_153, %parallel_loop3A_156 : vector<16xf32>
        %parallel_loop3A_158 = arith.constant 1 : i32
        %parallel_loop3A_159 = arith.addi %parallel_loop3A_102, %parallel_loop3A_158 : i32
        %parallel_loop3A_160 = arith.index_cast %parallel_loop3A_159 : i32 to index
        %parallel_loop3A_161 = arith.index_cast %parallel_loop3A_120 : i32 to index
        %parallel_loop3A_162 = tpu.vector_load %arg13[%parallel_loop3A_160, %parallel_loop3A_161] {strides = array<i32>} : memref<40x512xf32, #tpu.memory_space<vmem>>, vector<1x16xf32>,
        %parallel_loop3A_163 = vector.shape_cast %parallel_loop3A_162 : vector<1x16xf32> to vector<16xf32>
        %parallel_loop3A_164 = vector.shape_cast %parallel_loop3A_157 : vector<16xf32> to vector<1x16xf32>
        tpu.vector_store %arg13[%parallel_loop3A_160, %parallel_loop3A_161], %parallel_loop3A_164 {strides = array<i32>} : memref<40x512xf32, #tpu.memory_space<vmem>>, vector<1x16xf32>,
      } {sc.loop_unroll_factor = 4 : i64, sc.parallel_access}
    } {sc.loop_unroll_factor = 1 : i64, sc.parallel_access}
    %dma_start3A_30 = arith.constant 40 : i32
    %dma_start3A_31 = tpu.memref_slice %arg6[%dma_start3A_30, %mul3A_2] : memref<1000x16384xf32, #tpu.memory_space<hbm>> -> memref<40x512xf32, #tpu.memory_space<hbm>>
    %dma_start3A_32 = arith.constant 40 : i32
    %dma_start3A_33 = tpu.memref_slice %arg6[%dma_start3A_32, %mul3A_2] : memref<1000x16384xf32, #tpu.memory_space<hbm>> -> memref<40x512xf32, #tpu.memory_space<hbm>>
    tpu.enqueue_dma source(%arg13 : memref<40x512xf32, #tpu.memory_space<vmem>>) target(%dma_start3A_33 : memref<40x512xf32, #tpu.memory_space<hbm>>) target_semaphore(%arg17 : memref<!tpu.dma_semaphore, #tpu.memory_space<semaphore_mem>>)
    %dma_start3A_34 = arith.constant 120 : i32
    %dma_start3A_35 = tpu.memref_slice %arg2[%dma_start3A_34, %mul3A_2] : memref<1000x16384xf32, #tpu.memory_space<hbm>> -> memref<40x512xf32, #tpu.memory_space<hbm>>
    %dma_start3A_36 = arith.constant 120 : i32
    %dma_start3A_37 = tpu.memref_slice %arg2[%dma_start3A_36, %mul3A_2] : memref<1000x16384xf32, #tpu.memory_space<hbm>> -> memref<40x512xf32, #tpu.memory_space<hbm>>
    tpu.enqueue_dma source(%dma_start3A_37 : memref<40x512xf32, #tpu.memory_space<hbm>>) target(%arg11 : memref<40x512xf32, #tpu.memory_space<vmem>>) target_semaphore(%arg15 : memref<!tpu.dma_semaphore, #tpu.memory_space<semaphore_mem>>)
    %scan3A = arith.constant 0 : i32
    %scan3A_38 = arith.constant 0 : i32
    %scan3A_39 = arith.constant 10 : i32
    %scan3A_40 = arith.addi %scan3A_38, %scan3A_39 : i32
    %scan3A_41 = arith.constant 1 : i32
    scf.for %scan3A_100 = %scan3A_38 to %scan3A_40 step %scan3A_41  : i32 {
      %mul3A_101 = arith.constant 2 : i32
      %mul3A_102 = arith.muli %mul3A_101, %scan3A_100 : i32
      %add3A_103 = arith.constant 2 : i32
      %add3A_104 = arith.addi %add3A_103, %mul3A_102 : i32
      %mul3A_105 = arith.constant 40 : i32
      %mul3A_106 = arith.muli %add3A_104, %mul3A_105 : i32
      %dma_wait3A_107 = tpu.memref_slice %arg2[%mul3A_106, %mul3A_2] : memref<1000x16384xf32, #tpu.memory_space<hbm>> -> memref<40x512xf32, #tpu.memory_space<hbm>>
      %dma_wait3A_108 = tpu.memref_slice %arg2[%mul3A_106, %mul3A_2] : memref<1000x16384xf32, #tpu.memory_space<hbm>> -> memref<40x512xf32, #tpu.memory_space<hbm>>
      tpu.wait_dma2 semaphore(%arg14 : memref<!tpu.dma_semaphore, #tpu.memory_space<semaphore_mem>>) src(%dma_wait3A_108 : memref<40x512xf32, #tpu.memory_space<hbm>>) dst(%arg10 : memref<40x512xf32, #tpu.memory_space<vmem>>)
      %sub3A = arith.constant 2 : i32
      %sub3A_109 = arith.subi %add3A_104, %sub3A : i32
      %mul3A_110 = arith.constant 40 : i32
      %mul3A_111 = arith.muli %sub3A_109, %mul3A_110 : i32
      %dma_wait3A_112 = tpu.memref_slice %arg6[%mul3A_111, %mul3A_2] : memref<1000x16384xf32, #tpu.memory_space<hbm>> -> memref<40x512xf32, #tpu.memory_space<hbm>>
      %dma_wait3A_113 = tpu.memref_slice %arg6[%mul3A_111, %mul3A_2] : memref<1000x16384xf32, #tpu.memory_space<hbm>> -> memref<40x512xf32, #tpu.memory_space<hbm>>
      tpu.wait_dma2 semaphore(%arg16 : memref<!tpu.dma_semaphore, #tpu.memory_space<semaphore_mem>>) src(%arg12 : memref<40x512xf32, #tpu.memory_space<vmem>>) dst(%dma_wait3A_113 : memref<40x512xf32, #tpu.memory_space<hbm>>)
      %parallel_loop3A_114 = arith.constant 0 : i32
      %parallel_loop3A_115 = arith.constant 20 : i32
      %parallel_loop3A_116 = arith.constant 1 : i32
      scf.for %parallel_loop3A_152 = %parallel_loop3A_114 to %parallel_loop3A_115 step %parallel_loop3A_116  : i32 {
        %parallel_loop3A_153 = arith.constant 2 : i32
        %parallel_loop3A_154 = arith.muli %parallel_loop3A_153, %parallel_loop3A_152 : i32
        %parallel_loop3A_155 = arith.constant 40 : i32
        %parallel_loop3A_156 = arith.muli %add3A_104, %parallel_loop3A_155 : i32
        %parallel_loop3A_157 = arith.addi %parallel_loop3A_156, %parallel_loop3A_154 : i32
        %parallel_loop3A_158 = arith.constant 8 : i32
        %parallel_loop3A_159 = arith.muli %parallel_loop3A_158, %parallel_loop3A_157 : i32
        %parallel_loop3A_160 = arith.index_cast %parallel_loop3A_159 : i32 to index
        %parallel_loop3A_161 = tpu.vector_load %arg8[%parallel_loop3A_160] {strides = array<i32>} : memref<8000xf32, #tpu.memory_space<vmem>>, vector<16xf32>,
        %parallel_loop3A_162 = vector.shape_cast %parallel_loop3A_161 : vector<16xf32> to vector<16xf32>
        %parallel_loop3A_163 = arith.constant 8 : i32
        %parallel_loop3A_164 = arith.muli %parallel_loop3A_163, %parallel_loop3A_157 : i32
        %parallel_loop3A_165 = arith.index_cast %parallel_loop3A_164 : i32 to index
        %parallel_loop3A_166 = tpu.vector_load %arg9[%parallel_loop3A_165] {strides = array<i32>} : memref<8000xf32, #tpu.memory_space<vmem>>, vector<16xf32>,
        %parallel_loop3A_167 = vector.shape_cast %parallel_loop3A_166 : vector<16xf32> to vector<16xf32>
        %parallel_loop3A_168 = arith.constant 0 : i32
        %parallel_loop3A_169 = arith.constant 32 : i32
        %parallel_loop3A_170 = arith.constant 1 : i32
        scf.for %parallel_loop3A_171 = %parallel_loop3A_168 to %parallel_loop3A_169 step %parallel_loop3A_170  : i32 {
          %parallel_loop3A_172 = arith.constant 16 : i32
          %parallel_loop3A_173 = arith.muli %parallel_loop3A_171, %parallel_loop3A_172 : i32
          %parallel_loop3A_174 = arith.index_cast %parallel_loop3A_173 : i32 to index
          %parallel_loop3A_175 = tpu.vector_load %arg7[%parallel_loop3A_174] {strides = array<i32>} : memref<512xi32, #tpu.memory_space<vmem>>, vector<16xi32>,
          %parallel_loop3A_176 = vector.shape_cast %parallel_loop3A_175 : vector<16xi32> to vector<16xi32>
          %parallel_loop3A_177 = arith.constant 8 : i32
          %parallel_loop3A_178 = vector.broadcast %parallel_loop3A_177 : i32 to vector<16xi32>
          %parallel_loop3A_179 = arith.addi %parallel_loop3A_176, %parallel_loop3A_178 : vector<16xi32>
          %parallel_loop3A_180 = arith.index_cast %parallel_loop3A_154 : i32 to index
          %parallel_loop3A_181 = arith.index_cast %parallel_loop3A_173 : i32 to index
          %parallel_loop3A_182 = tpu.vector_load %arg10[%parallel_loop3A_180, %parallel_loop3A_181] {strides = array<i32>} : memref<40x512xf32, #tpu.memory_space<vmem>>, vector<1x16xf32>,
          %parallel_loop3A_183 = vector.shape_cast %parallel_loop3A_182 : vector<1x16xf32> to vector<16xf32>
          %parallel_loop3A_184 = arith.constant 1 : i32
          %parallel_loop3A_185 = arith.addi %parallel_loop3A_154, %parallel_loop3A_184 : i32
          %parallel_loop3A_186 = arith.index_cast %parallel_loop3A_185 : i32 to index
          %parallel_loop3A_187 = arith.index_cast %parallel_loop3A_173 : i32 to index
          %parallel_loop3A_188 = tpu.vector_load %arg10[%parallel_loop3A_186, %parallel_loop3A_187] {strides = array<i32>} : memref<40x512xf32, #tpu.memory_space<vmem>>, vector<1x16xf32>,
          %parallel_loop3A_189 = vector.shape_cast %parallel_loop3A_188 : vector<1x16xf32> to vector<16xf32>
          %parallel_loop3A_190 = vector.shape_cast %parallel_loop3A_176 : vector<16xi32> to vector<16x1xi32>
          %parallel_loop3A_191 = vector.shape_cast %parallel_loop3A_190 : vector<16x1xi32> to vector<16xi32>
          %parallel_loop3A_192 = tpu.dynamic_gather %parallel_loop3A_162[%parallel_loop3A_191] in [0] : vector<16xf32>, vector<16xi32> -> vector<16xf32>
          %parallel_loop3A_193 = arith.mulf %parallel_loop3A_183, %parallel_loop3A_192 : vector<16xf32>
          %parallel_loop3A_194 = vector.shape_cast %parallel_loop3A_176 : vector<16xi32> to vector<16x1xi32>
          %parallel_loop3A_195 = vector.shape_cast %parallel_loop3A_194 : vector<16x1xi32> to vector<16xi32>
          %parallel_loop3A_196 = tpu.dynamic_gather %parallel_loop3A_167[%parallel_loop3A_195] in [0] : vector<16xf32>, vector<16xi32> -> vector<16xf32>
          %parallel_loop3A_197 = arith.addf %parallel_loop3A_193, %parallel_loop3A_196 : vector<16xf32>
          %parallel_loop3A_198 = arith.index_cast %parallel_loop3A_154 : i32 to index
          %parallel_loop3A_199 = arith.index_cast %parallel_loop3A_173 : i32 to index
          %parallel_loop3A_200 = tpu.vector_load %arg12[%parallel_loop3A_198, %parallel_loop3A_199] {strides = array<i32>} : memref<40x512xf32, #tpu.memory_space<vmem>>, vector<1x16xf32>,
          %parallel_loop3A_201 = vector.shape_cast %parallel_loop3A_200 : vector<1x16xf32> to vector<16xf32>
          %parallel_loop3A_202 = vector.shape_cast %parallel_loop3A_197 : vector<16xf32> to vector<1x16xf32>
          tpu.vector_store %arg12[%parallel_loop3A_198, %parallel_loop3A_199], %parallel_loop3A_202 {strides = array<i32>} : memref<40x512xf32, #tpu.memory_space<vmem>>, vector<1x16xf32>,
          %parallel_loop3A_203 = vector.shape_cast %parallel_loop3A_179 : vector<16xi32> to vector<16x1xi32>
          %parallel_loop3A_204 = vector.shape_cast %parallel_loop3A_203 : vector<16x1xi32> to vector<16xi32>
          %parallel_loop3A_205 = tpu.dynamic_gather %parallel_loop3A_162[%parallel_loop3A_204] in [0] : vector<16xf32>, vector<16xi32> -> vector<16xf32>
          %parallel_loop3A_206 = arith.mulf %parallel_loop3A_189, %parallel_loop3A_205 : vector<16xf32>
          %parallel_loop3A_207 = vector.shape_cast %parallel_loop3A_179 : vector<16xi32> to vector<16x1xi32>
          %parallel_loop3A_208 = vector.shape_cast %parallel_loop3A_207 : vector<16x1xi32> to vector<16xi32>
          %parallel_loop3A_209 = tpu.dynamic_gather %parallel_loop3A_167[%parallel_loop3A_208] in [0] : vector<16xf32>, vector<16xi32> -> vector<16xf32>
          %parallel_loop3A_210 = arith.addf %parallel_loop3A_206, %parallel_loop3A_209 : vector<16xf32>
          %parallel_loop3A_211 = arith.constant 1 : i32
          %parallel_loop3A_212 = arith.addi %parallel_loop3A_154, %parallel_loop3A_211 : i32
          %parallel_loop3A_213 = arith.index_cast %parallel_loop3A_212 : i32 to index
          %parallel_loop3A_214 = arith.index_cast %parallel_loop3A_173 : i32 to index
          %parallel_loop3A_215 = tpu.vector_load %arg12[%parallel_loop3A_213, %parallel_loop3A_214] {strides = array<i32>} : memref<40x512xf32, #tpu.memory_space<vmem>>, vector<1x16xf32>,
          %parallel_loop3A_216 = vector.shape_cast %parallel_loop3A_215 : vector<1x16xf32> to vector<16xf32>
          %parallel_loop3A_217 = vector.shape_cast %parallel_loop3A_210 : vector<16xf32> to vector<1x16xf32>
          tpu.vector_store %arg12[%parallel_loop3A_213, %parallel_loop3A_214], %parallel_loop3A_217 {strides = array<i32>} : memref<40x512xf32, #tpu.memory_space<vmem>>, vector<1x16xf32>,
        } {sc.loop_unroll_factor = 4 : i64, sc.parallel_access}
      } {sc.loop_unroll_factor = 1 : i64, sc.parallel_access}
      %mul3A_117 = arith.constant 40 : i32
      %mul3A_118 = arith.muli %add3A_104, %mul3A_117 : i32
      %dma_start3A_119 = tpu.memref_slice %arg6[%mul3A_118, %mul3A_2] : memref<1000x16384xf32, #tpu.memory_space<hbm>> -> memref<40x512xf32, #tpu.memory_space<hbm>>
      %dma_start3A_120 = tpu.memref_slice %arg6[%mul3A_118, %mul3A_2] : memref<1000x16384xf32, #tpu.memory_space<hbm>> -> memref<40x512xf32, #tpu.memory_space<hbm>>
      tpu.enqueue_dma source(%arg12 : memref<40x512xf32, #tpu.memory_space<vmem>>) target(%dma_start3A_120 : memref<40x512xf32, #tpu.memory_space<hbm>>) target_semaphore(%arg16 : memref<!tpu.dma_semaphore, #tpu.memory_space<semaphore_mem>>)
      %add3A_121 = arith.constant 2 : i32
      %add3A_122 = arith.addi %add3A_104, %add3A_121 : i32
      %mul3A_123 = arith.constant 40 : i32
      %mul3A_124 = arith.muli %add3A_122, %mul3A_123 : i32
      %dma_start3A_125 = tpu.memref_slice %arg2[%mul3A_124, %mul3A_2] : memref<1000x16384xf32, #tpu.memory_space<hbm>> -> memref<40x512xf32, #tpu.memory_space<hbm>>
      %dma_start3A_126 = tpu.memref_slice %arg2[%mul3A_124, %mul3A_2] : memref<1000x16384xf32, #tpu.memory_space<hbm>> -> memref<40x512xf32, #tpu.memory_space<hbm>>
      tpu.enqueue_dma source(%dma_start3A_126 : memref<40x512xf32, #tpu.memory_space<hbm>>) target(%arg10 : memref<40x512xf32, #tpu.memory_space<vmem>>) target_semaphore(%arg14 : memref<!tpu.dma_semaphore, #tpu.memory_space<semaphore_mem>>)
      %add3A_127 = arith.constant 1 : i32
      %add3A_128 = arith.addi %add3A_104, %add3A_127 : i32
      %mul3A_129 = arith.constant 40 : i32
      %mul3A_130 = arith.muli %add3A_128, %mul3A_129 : i32
      %dma_wait3A_131 = tpu.memref_slice %arg2[%mul3A_130, %mul3A_2] : memref<1000x16384xf32, #tpu.memory_space<hbm>> -> memref<40x512xf32, #tpu.memory_space<hbm>>
      %dma_wait3A_132 = tpu.memref_slice %arg2[%mul3A_130, %mul3A_2] : memref<1000x16384xf32, #tpu.memory_space<hbm>> -> memref<40x512xf32, #tpu.memory_space<hbm>>
      tpu.wait_dma2 semaphore(%arg15 : memref<!tpu.dma_semaphore, #tpu.memory_space<semaphore_mem>>) src(%dma_wait3A_132 : memref<40x512xf32, #tpu.memory_space<hbm>>) dst(%arg11 : memref<40x512xf32, #tpu.memory_space<vmem>>)
      %sub3A_133 = arith.constant 2 : i32
      %sub3A_134 = arith.subi %add3A_128, %sub3A_133 : i32
      %mul3A_135 = arith.constant 40 : i32
      %mul3A_136 = arith.muli %sub3A_134, %mul3A_135 : i32
      %dma_wait3A_137 = tpu.memref_slice %arg6[%mul3A_136, %mul3A_2] : memref<1000x16384xf32, #tpu.memory_space<hbm>> -> memref<40x512xf32, #tpu.memory_space<hbm>>
      %dma_wait3A_138 = tpu.memref_slice %arg6[%mul3A_136, %mul3A_2] : memref<1000x16384xf32, #tpu.memory_space<hbm>> -> memref<40x512xf32, #tpu.memory_space<hbm>>
      tpu.wait_dma2 semaphore(%arg17 : memref<!tpu.dma_semaphore, #tpu.memory_space<semaphore_mem>>) src(%arg13 : memref<40x512xf32, #tpu.memory_space<vmem>>) dst(%dma_wait3A_138 : memref<40x512xf32, #tpu.memory_space<hbm>>)
      %parallel_loop3A_139 = arith.constant 0 : i32
      %parallel_loop3A_140 = arith.constant 20 : i32
      %parallel_loop3A_141 = arith.constant 1 : i32
      scf.for %parallel_loop3A_152 = %parallel_loop3A_139 to %parallel_loop3A_140 step %parallel_loop3A_141  : i32 {
        %parallel_loop3A_153 = arith.constant 2 : i32
        %parallel_loop3A_154 = arith.muli %parallel_loop3A_153, %parallel_loop3A_152 : i32
        %parallel_loop3A_155 = arith.constant 40 : i32
        %parallel_loop3A_156 = arith.muli %add3A_128, %parallel_loop3A_155 : i32
        %parallel_loop3A_157 = arith.addi %parallel_loop3A_156, %parallel_loop3A_154 : i32
        %parallel_loop3A_158 = arith.constant 8 : i32
        %parallel_loop3A_159 = arith.muli %parallel_loop3A_158, %parallel_loop3A_157 : i32
        %parallel_loop3A_160 = arith.index_cast %parallel_loop3A_159 : i32 to index
        %parallel_loop3A_161 = tpu.vector_load %arg8[%parallel_loop3A_160] {strides = array<i32>} : memref<8000xf32, #tpu.memory_space<vmem>>, vector<16xf32>,
        %parallel_loop3A_162 = vector.shape_cast %parallel_loop3A_161 : vector<16xf32> to vector<16xf32>
        %parallel_loop3A_163 = arith.constant 8 : i32
        %parallel_loop3A_164 = arith.muli %parallel_loop3A_163, %parallel_loop3A_157 : i32
        %parallel_loop3A_165 = arith.index_cast %parallel_loop3A_164 : i32 to index
        %parallel_loop3A_166 = tpu.vector_load %arg9[%parallel_loop3A_165] {strides = array<i32>} : memref<8000xf32, #tpu.memory_space<vmem>>, vector<16xf32>,
        %parallel_loop3A_167 = vector.shape_cast %parallel_loop3A_166 : vector<16xf32> to vector<16xf32>
        %parallel_loop3A_168 = arith.constant 0 : i32
        %parallel_loop3A_169 = arith.constant 32 : i32
        %parallel_loop3A_170 = arith.constant 1 : i32
        scf.for %parallel_loop3A_171 = %parallel_loop3A_168 to %parallel_loop3A_169 step %parallel_loop3A_170  : i32 {
          %parallel_loop3A_172 = arith.constant 16 : i32
          %parallel_loop3A_173 = arith.muli %parallel_loop3A_171, %parallel_loop3A_172 : i32
          %parallel_loop3A_174 = arith.index_cast %parallel_loop3A_173 : i32 to index
          %parallel_loop3A_175 = tpu.vector_load %arg7[%parallel_loop3A_174] {strides = array<i32>} : memref<512xi32, #tpu.memory_space<vmem>>, vector<16xi32>,
          %parallel_loop3A_176 = vector.shape_cast %parallel_loop3A_175 : vector<16xi32> to vector<16xi32>
          %parallel_loop3A_177 = arith.constant 8 : i32
          %parallel_loop3A_178 = vector.broadcast %parallel_loop3A_177 : i32 to vector<16xi32>
          %parallel_loop3A_179 = arith.addi %parallel_loop3A_176, %parallel_loop3A_178 : vector<16xi32>
          %parallel_loop3A_180 = arith.index_cast %parallel_loop3A_154 : i32 to index
          %parallel_loop3A_181 = arith.index_cast %parallel_loop3A_173 : i32 to index
          %parallel_loop3A_182 = tpu.vector_load %arg11[%parallel_loop3A_180, %parallel_loop3A_181] {strides = array<i32>} : memref<40x512xf32, #tpu.memory_space<vmem>>, vector<1x16xf32>,
          %parallel_loop3A_183 = vector.shape_cast %parallel_loop3A_182 : vector<1x16xf32> to vector<16xf32>
          %parallel_loop3A_184 = arith.constant 1 : i32
          %parallel_loop3A_185 = arith.addi %parallel_loop3A_154, %parallel_loop3A_184 : i32
          %parallel_loop3A_186 = arith.index_cast %parallel_loop3A_185 : i32 to index
          %parallel_loop3A_187 = arith.index_cast %parallel_loop3A_173 : i32 to index
          %parallel_loop3A_188 = tpu.vector_load %arg11[%parallel_loop3A_186, %parallel_loop3A_187] {strides = array<i32>} : memref<40x512xf32, #tpu.memory_space<vmem>>, vector<1x16xf32>,
          %parallel_loop3A_189 = vector.shape_cast %parallel_loop3A_188 : vector<1x16xf32> to vector<16xf32>
          %parallel_loop3A_190 = vector.shape_cast %parallel_loop3A_176 : vector<16xi32> to vector<16x1xi32>
          %parallel_loop3A_191 = vector.shape_cast %parallel_loop3A_190 : vector<16x1xi32> to vector<16xi32>
          %parallel_loop3A_192 = tpu.dynamic_gather %parallel_loop3A_162[%parallel_loop3A_191] in [0] : vector<16xf32>, vector<16xi32> -> vector<16xf32>
          %parallel_loop3A_193 = arith.mulf %parallel_loop3A_183, %parallel_loop3A_192 : vector<16xf32>
          %parallel_loop3A_194 = vector.shape_cast %parallel_loop3A_176 : vector<16xi32> to vector<16x1xi32>
          %parallel_loop3A_195 = vector.shape_cast %parallel_loop3A_194 : vector<16x1xi32> to vector<16xi32>
          %parallel_loop3A_196 = tpu.dynamic_gather %parallel_loop3A_167[%parallel_loop3A_195] in [0] : vector<16xf32>, vector<16xi32> -> vector<16xf32>
          %parallel_loop3A_197 = arith.addf %parallel_loop3A_193, %parallel_loop3A_196 : vector<16xf32>
          %parallel_loop3A_198 = arith.index_cast %parallel_loop3A_154 : i32 to index
          %parallel_loop3A_199 = arith.index_cast %parallel_loop3A_173 : i32 to index
          %parallel_loop3A_200 = tpu.vector_load %arg13[%parallel_loop3A_198, %parallel_loop3A_199] {strides = array<i32>} : memref<40x512xf32, #tpu.memory_space<vmem>>, vector<1x16xf32>,
          %parallel_loop3A_201 = vector.shape_cast %parallel_loop3A_200 : vector<1x16xf32> to vector<16xf32>
          %parallel_loop3A_202 = vector.shape_cast %parallel_loop3A_197 : vector<16xf32> to vector<1x16xf32>
          tpu.vector_store %arg13[%parallel_loop3A_198, %parallel_loop3A_199], %parallel_loop3A_202 {strides = array<i32>} : memref<40x512xf32, #tpu.memory_space<vmem>>, vector<1x16xf32>,
          %parallel_loop3A_203 = vector.shape_cast %parallel_loop3A_179 : vector<16xi32> to vector<16x1xi32>
          %parallel_loop3A_204 = vector.shape_cast %parallel_loop3A_203 : vector<16x1xi32> to vector<16xi32>
          %parallel_loop3A_205 = tpu.dynamic_gather %parallel_loop3A_162[%parallel_loop3A_204] in [0] : vector<16xf32>, vector<16xi32> -> vector<16xf32>
          %parallel_loop3A_206 = arith.mulf %parallel_loop3A_189, %parallel_loop3A_205 : vector<16xf32>
          %parallel_loop3A_207 = vector.shape_cast %parallel_loop3A_179 : vector<16xi32> to vector<16x1xi32>
          %parallel_loop3A_208 = vector.shape_cast %parallel_loop3A_207 : vector<16x1xi32> to vector<16xi32>
          %parallel_loop3A_209 = tpu.dynamic_gather %parallel_loop3A_167[%parallel_loop3A_208] in [0] : vector<16xf32>, vector<16xi32> -> vector<16xf32>
          %parallel_loop3A_210 = arith.addf %parallel_loop3A_206, %parallel_loop3A_209 : vector<16xf32>
          %parallel_loop3A_211 = arith.constant 1 : i32
          %parallel_loop3A_212 = arith.addi %parallel_loop3A_154, %parallel_loop3A_211 : i32
          %parallel_loop3A_213 = arith.index_cast %parallel_loop3A_212 : i32 to index
          %parallel_loop3A_214 = arith.index_cast %parallel_loop3A_173 : i32 to index
          %parallel_loop3A_215 = tpu.vector_load %arg13[%parallel_loop3A_213, %parallel_loop3A_214] {strides = array<i32>} : memref<40x512xf32, #tpu.memory_space<vmem>>, vector<1x16xf32>,
          %parallel_loop3A_216 = vector.shape_cast %parallel_loop3A_215 : vector<1x16xf32> to vector<16xf32>
          %parallel_loop3A_217 = vector.shape_cast %parallel_loop3A_210 : vector<16xf32> to vector<1x16xf32>
          tpu.vector_store %arg13[%parallel_loop3A_213, %parallel_loop3A_214], %parallel_loop3A_217 {strides = array<i32>} : memref<40x512xf32, #tpu.memory_space<vmem>>, vector<1x16xf32>,
        } {sc.loop_unroll_factor = 4 : i64, sc.parallel_access}
      } {sc.loop_unroll_factor = 1 : i64, sc.parallel_access}
      %mul3A_142 = arith.constant 40 : i32
      %mul3A_143 = arith.muli %add3A_128, %mul3A_142 : i32
      %dma_start3A_144 = tpu.memref_slice %arg6[%mul3A_143, %mul3A_2] : memref<1000x16384xf32, #tpu.memory_space<hbm>> -> memref<40x512xf32, #tpu.memory_space<hbm>>
      %dma_start3A_145 = tpu.memref_slice %arg6[%mul3A_143, %mul3A_2] : memref<1000x16384xf32, #tpu.memory_space<hbm>> -> memref<40x512xf32, #tpu.memory_space<hbm>>
      tpu.enqueue_dma source(%arg13 : memref<40x512xf32, #tpu.memory_space<vmem>>) target(%dma_start3A_145 : memref<40x512xf32, #tpu.memory_space<hbm>>) target_semaphore(%arg17 : memref<!tpu.dma_semaphore, #tpu.memory_space<semaphore_mem>>)
      %add3A_146 = arith.constant 2 : i32
      %add3A_147 = arith.addi %add3A_128, %add3A_146 : i32
      %mul3A_148 = arith.constant 40 : i32
      %mul3A_149 = arith.muli %add3A_147, %mul3A_148 : i32
      %dma_start3A_150 = tpu.memref_slice %arg2[%mul3A_149, %mul3A_2] : memref<1000x16384xf32, #tpu.memory_space<hbm>> -> memref<40x512xf32, #tpu.memory_space<hbm>>
      %dma_start3A_151 = tpu.memref_slice %arg2[%mul3A_149, %mul3A_2] : memref<1000x16384xf32, #tpu.memory_space<hbm>> -> memref<40x512xf32, #tpu.memory_space<hbm>>
      tpu.enqueue_dma source(%dma_start3A_151 : memref<40x512xf32, #tpu.memory_space<hbm>>) target(%arg11 : memref<40x512xf32, #tpu.memory_space<vmem>>) target_semaphore(%arg15 : memref<!tpu.dma_semaphore, #tpu.memory_space<semaphore_mem>>)
    }
    %scan3A_42 = arith.constant 10 : i32
    %dma_wait3A_43 = arith.constant 880 : i32
    %dma_wait3A_44 = tpu.memref_slice %arg2[%dma_wait3A_43, %mul3A_2] : memref<1000x16384xf32, #tpu.memory_space<hbm>> -> memref<40x512xf32, #tpu.memory_space<hbm>>
    %dma_wait3A_45 = arith.constant 880 : i32
    %dma_wait3A_46 = tpu.memref_slice %arg2[%dma_wait3A_45, %mul3A_2] : memref<1000x16384xf32, #tpu.memory_space<hbm>> -> memref<40x512xf32, #tpu.memory_space<hbm>>
    tpu.wait_dma2 semaphore(%arg14 : memref<!tpu.dma_semaphore, #tpu.memory_space<semaphore_mem>>) src(%dma_wait3A_46 : memref<40x512xf32, #tpu.memory_space<hbm>>) dst(%arg10 : memref<40x512xf32, #tpu.memory_space<vmem>>)
    %dma_wait3A_47 = arith.constant 800 : i32
    %dma_wait3A_48 = tpu.memref_slice %arg6[%dma_wait3A_47, %mul3A_2] : memref<1000x16384xf32, #tpu.memory_space<hbm>> -> memref<40x512xf32, #tpu.memory_space<hbm>>
    %dma_wait3A_49 = arith.constant 800 : i32
    %dma_wait3A_50 = tpu.memref_slice %arg6[%dma_wait3A_49, %mul3A_2] : memref<1000x16384xf32, #tpu.memory_space<hbm>> -> memref<40x512xf32, #tpu.memory_space<hbm>>
    tpu.wait_dma2 semaphore(%arg16 : memref<!tpu.dma_semaphore, #tpu.memory_space<semaphore_mem>>) src(%arg12 : memref<40x512xf32, #tpu.memory_space<vmem>>) dst(%dma_wait3A_50 : memref<40x512xf32, #tpu.memory_space<hbm>>)
    %parallel_loop3A_51 = arith.constant 0 : i32
    %parallel_loop3A_52 = arith.constant 20 : i32
    %parallel_loop3A_53 = arith.constant 1 : i32
    scf.for %parallel_loop3A_100 = %parallel_loop3A_51 to %parallel_loop3A_52 step %parallel_loop3A_53  : i32 {
      %parallel_loop3A_101 = arith.constant 2 : i32
      %parallel_loop3A_102 = arith.muli %parallel_loop3A_101, %parallel_loop3A_100 : i32
      %parallel_loop3A_103 = arith.constant 880 : i32
      %parallel_loop3A_104 = arith.addi %parallel_loop3A_103, %parallel_loop3A_102 : i32
      %parallel_loop3A_105 = arith.constant 8 : i32
      %parallel_loop3A_106 = arith.muli %parallel_loop3A_105, %parallel_loop3A_104 : i32
      %parallel_loop3A_107 = arith.index_cast %parallel_loop3A_106 : i32 to index
      %parallel_loop3A_108 = tpu.vector_load %arg8[%parallel_loop3A_107] {strides = array<i32>} : memref<8000xf32, #tpu.memory_space<vmem>>, vector<16xf32>,
      %parallel_loop3A_109 = vector.shape_cast %parallel_loop3A_108 : vector<16xf32> to vector<16xf32>
      %parallel_loop3A_110 = arith.constant 8 : i32
      %parallel_loop3A_111 = arith.muli %parallel_loop3A_110, %parallel_loop3A_104 : i32
      %parallel_loop3A_112 = arith.index_cast %parallel_loop3A_111 : i32 to index
      %parallel_loop3A_113 = tpu.vector_load %arg9[%parallel_loop3A_112] {strides = array<i32>} : memref<8000xf32, #tpu.memory_space<vmem>>, vector<16xf32>,
      %parallel_loop3A_114 = vector.shape_cast %parallel_loop3A_113 : vector<16xf32> to vector<16xf32>
      %parallel_loop3A_115 = arith.constant 0 : i32
      %parallel_loop3A_116 = arith.constant 32 : i32
      %parallel_loop3A_117 = arith.constant 1 : i32
      scf.for %parallel_loop3A_118 = %parallel_loop3A_115 to %parallel_loop3A_116 step %parallel_loop3A_117  : i32 {
        %parallel_loop3A_119 = arith.constant 16 : i32
        %parallel_loop3A_120 = arith.muli %parallel_loop3A_118, %parallel_loop3A_119 : i32
        %parallel_loop3A_121 = arith.index_cast %parallel_loop3A_120 : i32 to index
        %parallel_loop3A_122 = tpu.vector_load %arg7[%parallel_loop3A_121] {strides = array<i32>} : memref<512xi32, #tpu.memory_space<vmem>>, vector<16xi32>,
        %parallel_loop3A_123 = vector.shape_cast %parallel_loop3A_122 : vector<16xi32> to vector<16xi32>
        %parallel_loop3A_124 = arith.constant 8 : i32
        %parallel_loop3A_125 = vector.broadcast %parallel_loop3A_124 : i32 to vector<16xi32>
        %parallel_loop3A_126 = arith.addi %parallel_loop3A_123, %parallel_loop3A_125 : vector<16xi32>
        %parallel_loop3A_127 = arith.index_cast %parallel_loop3A_102 : i32 to index
        %parallel_loop3A_128 = arith.index_cast %parallel_loop3A_120 : i32 to index
        %parallel_loop3A_129 = tpu.vector_load %arg10[%parallel_loop3A_127, %parallel_loop3A_128] {strides = array<i32>} : memref<40x512xf32, #tpu.memory_space<vmem>>, vector<1x16xf32>,
        %parallel_loop3A_130 = vector.shape_cast %parallel_loop3A_129 : vector<1x16xf32> to vector<16xf32>
        %parallel_loop3A_131 = arith.constant 1 : i32
        %parallel_loop3A_132 = arith.addi %parallel_loop3A_102, %parallel_loop3A_131 : i32
        %parallel_loop3A_133 = arith.index_cast %parallel_loop3A_132 : i32 to index
        %parallel_loop3A_134 = arith.index_cast %parallel_loop3A_120 : i32 to index
        %parallel_loop3A_135 = tpu.vector_load %arg10[%parallel_loop3A_133, %parallel_loop3A_134] {strides = array<i32>} : memref<40x512xf32, #tpu.memory_space<vmem>>, vector<1x16xf32>,
        %parallel_loop3A_136 = vector.shape_cast %parallel_loop3A_135 : vector<1x16xf32> to vector<16xf32>
        %parallel_loop3A_137 = vector.shape_cast %parallel_loop3A_123 : vector<16xi32> to vector<16x1xi32>
        %parallel_loop3A_138 = vector.shape_cast %parallel_loop3A_137 : vector<16x1xi32> to vector<16xi32>
        %parallel_loop3A_139 = tpu.dynamic_gather %parallel_loop3A_109[%parallel_loop3A_138] in [0] : vector<16xf32>, vector<16xi32> -> vector<16xf32>
        %parallel_loop3A_140 = arith.mulf %parallel_loop3A_130, %parallel_loop3A_139 : vector<16xf32>
        %parallel_loop3A_141 = vector.shape_cast %parallel_loop3A_123 : vector<16xi32> to vector<16x1xi32>
        %parallel_loop3A_142 = vector.shape_cast %parallel_loop3A_141 : vector<16x1xi32> to vector<16xi32>
        %parallel_loop3A_143 = tpu.dynamic_gather %parallel_loop3A_114[%parallel_loop3A_142] in [0] : vector<16xf32>, vector<16xi32> -> vector<16xf32>
        %parallel_loop3A_144 = arith.addf %parallel_loop3A_140, %parallel_loop3A_143 : vector<16xf32>
        %parallel_loop3A_145 = arith.index_cast %parallel_loop3A_102 : i32 to index
        %parallel_loop3A_146 = arith.index_cast %parallel_loop3A_120 : i32 to index
        %parallel_loop3A_147 = tpu.vector_load %arg12[%parallel_loop3A_145, %parallel_loop3A_146] {strides = array<i32>} : memref<40x512xf32, #tpu.memory_space<vmem>>, vector<1x16xf32>,
        %parallel_loop3A_148 = vector.shape_cast %parallel_loop3A_147 : vector<1x16xf32> to vector<16xf32>
        %parallel_loop3A_149 = vector.shape_cast %parallel_loop3A_144 : vector<16xf32> to vector<1x16xf32>
        tpu.vector_store %arg12[%parallel_loop3A_145, %parallel_loop3A_146], %parallel_loop3A_149 {strides = array<i32>} : memref<40x512xf32, #tpu.memory_space<vmem>>, vector<1x16xf32>,
        %parallel_loop3A_150 = vector.shape_cast %parallel_loop3A_126 : vector<16xi32> to vector<16x1xi32>
        %parallel_loop3A_151 = vector.shape_cast %parallel_loop3A_150 : vector<16x1xi32> to vector<16xi32>
        %parallel_loop3A_152 = tpu.dynamic_gather %parallel_loop3A_109[%parallel_loop3A_151] in [0] : vector<16xf32>, vector<16xi32> -> vector<16xf32>
        %parallel_loop3A_153 = arith.mulf %parallel_loop3A_136, %parallel_loop3A_152 : vector<16xf32>
        %parallel_loop3A_154 = vector.shape_cast %parallel_loop3A_126 : vector<16xi32> to vector<16x1xi32>
        %parallel_loop3A_155 = vector.shape_cast %parallel_loop3A_154 : vector<16x1xi32> to vector<16xi32>
        %parallel_loop3A_156 = tpu.dynamic_gather %parallel_loop3A_114[%parallel_loop3A_155] in [0] : vector<16xf32>, vector<16xi32> -> vector<16xf32>
        %parallel_loop3A_157 = arith.addf %parallel_loop3A_153, %parallel_loop3A_156 : vector<16xf32>
        %parallel_loop3A_158 = arith.constant 1 : i32
        %parallel_loop3A_159 = arith.addi %parallel_loop3A_102, %parallel_loop3A_158 : i32
        %parallel_loop3A_160 = arith.index_cast %parallel_loop3A_159 : i32 to index
        %parallel_loop3A_161 = arith.index_cast %parallel_loop3A_120 : i32 to index
        %parallel_loop3A_162 = tpu.vector_load %arg12[%parallel_loop3A_160, %parallel_loop3A_161] {strides = array<i32>} : memref<40x512xf32, #tpu.memory_space<vmem>>, vector<1x16xf32>,
        %parallel_loop3A_163 = vector.shape_cast %parallel_loop3A_162 : vector<1x16xf32> to vector<16xf32>
        %parallel_loop3A_164 = vector.shape_cast %parallel_loop3A_157 : vector<16xf32> to vector<1x16xf32>
        tpu.vector_store %arg12[%parallel_loop3A_160, %parallel_loop3A_161], %parallel_loop3A_164 {strides = array<i32>} : memref<40x512xf32, #tpu.memory_space<vmem>>, vector<1x16xf32>,
      } {sc.loop_unroll_factor = 4 : i64, sc.parallel_access}
    } {sc.loop_unroll_factor = 1 : i64, sc.parallel_access}
    %dma_start3A_54 = arith.constant 880 : i32
    %dma_start3A_55 = tpu.memref_slice %arg6[%dma_start3A_54, %mul3A_2] : memref<1000x16384xf32, #tpu.memory_space<hbm>> -> memref<40x512xf32, #tpu.memory_space<hbm>>
    %dma_start3A_56 = arith.constant 880 : i32
    %dma_start3A_57 = tpu.memref_slice %arg6[%dma_start3A_56, %mul3A_2] : memref<1000x16384xf32, #tpu.memory_space<hbm>> -> memref<40x512xf32, #tpu.memory_space<hbm>>
    tpu.enqueue_dma source(%arg12 : memref<40x512xf32, #tpu.memory_space<vmem>>) target(%dma_start3A_57 : memref<40x512xf32, #tpu.memory_space<hbm>>) target_semaphore(%arg16 : memref<!tpu.dma_semaphore, #tpu.memory_space<semaphore_mem>>)
    %dma_start3A_58 = arith.constant 960 : i32
    %dma_start3A_59 = tpu.memref_slice %arg2[%dma_start3A_58, %mul3A_2] : memref<1000x16384xf32, #tpu.memory_space<hbm>> -> memref<40x512xf32, #tpu.memory_space<hbm>>
    %dma_start3A_60 = arith.constant 960 : i32
    %dma_start3A_61 = tpu.memref_slice %arg2[%dma_start3A_60, %mul3A_2] : memref<1000x16384xf32, #tpu.memory_space<hbm>> -> memref<40x512xf32, #tpu.memory_space<hbm>>
    tpu.enqueue_dma source(%dma_start3A_61 : memref<40x512xf32, #tpu.memory_space<hbm>>) target(%arg10 : memref<40x512xf32, #tpu.memory_space<vmem>>) target_semaphore(%arg14 : memref<!tpu.dma_semaphore, #tpu.memory_space<semaphore_mem>>)
    %dma_wait3A_62 = arith.constant 920 : i32
    %dma_wait3A_63 = tpu.memref_slice %arg2[%dma_wait3A_62, %mul3A_2] : memref<1000x16384xf32, #tpu.memory_space<hbm>> -> memref<40x512xf32, #tpu.memory_space<hbm>>
    %dma_wait3A_64 = arith.constant 920 : i32
    %dma_wait3A_65 = tpu.memref_slice %arg2[%dma_wait3A_64, %mul3A_2] : memref<1000x16384xf32, #tpu.memory_space<hbm>> -> memref<40x512xf32, #tpu.memory_space<hbm>>
    tpu.wait_dma2 semaphore(%arg15 : memref<!tpu.dma_semaphore, #tpu.memory_space<semaphore_mem>>) src(%dma_wait3A_65 : memref<40x512xf32, #tpu.memory_space<hbm>>) dst(%arg11 : memref<40x512xf32, #tpu.memory_space<vmem>>)
    %dma_wait3A_66 = arith.constant 840 : i32
    %dma_wait3A_67 = tpu.memref_slice %arg6[%dma_wait3A_66, %mul3A_2] : memref<1000x16384xf32, #tpu.memory_space<hbm>> -> memref<40x512xf32, #tpu.memory_space<hbm>>
    %dma_wait3A_68 = arith.constant 840 : i32
    %dma_wait3A_69 = tpu.memref_slice %arg6[%dma_wait3A_68, %mul3A_2] : memref<1000x16384xf32, #tpu.memory_space<hbm>> -> memref<40x512xf32, #tpu.memory_space<hbm>>
    tpu.wait_dma2 semaphore(%arg17 : memref<!tpu.dma_semaphore, #tpu.memory_space<semaphore_mem>>) src(%arg13 : memref<40x512xf32, #tpu.memory_space<vmem>>) dst(%dma_wait3A_69 : memref<40x512xf32, #tpu.memory_space<hbm>>)
    %parallel_loop3A_70 = arith.constant 0 : i32
    %parallel_loop3A_71 = arith.constant 20 : i32
    %parallel_loop3A_72 = arith.constant 1 : i32
    scf.for %parallel_loop3A_100 = %parallel_loop3A_70 to %parallel_loop3A_71 step %parallel_loop3A_72  : i32 {
      %parallel_loop3A_101 = arith.constant 2 : i32
      %parallel_loop3A_102 = arith.muli %parallel_loop3A_101, %parallel_loop3A_100 : i32
      %parallel_loop3A_103 = arith.constant 920 : i32
      %parallel_loop3A_104 = arith.addi %parallel_loop3A_103, %parallel_loop3A_102 : i32
      %parallel_loop3A_105 = arith.constant 8 : i32
      %parallel_loop3A_106 = arith.muli %parallel_loop3A_105, %parallel_loop3A_104 : i32
      %parallel_loop3A_107 = arith.index_cast %parallel_loop3A_106 : i32 to index
      %parallel_loop3A_108 = tpu.vector_load %arg8[%parallel_loop3A_107] {strides = array<i32>} : memref<8000xf32, #tpu.memory_space<vmem>>, vector<16xf32>,
      %parallel_loop3A_109 = vector.shape_cast %parallel_loop3A_108 : vector<16xf32> to vector<16xf32>
      %parallel_loop3A_110 = arith.constant 8 : i32
      %parallel_loop3A_111 = arith.muli %parallel_loop3A_110, %parallel_loop3A_104 : i32
      %parallel_loop3A_112 = arith.index_cast %parallel_loop3A_111 : i32 to index
      %parallel_loop3A_113 = tpu.vector_load %arg9[%parallel_loop3A_112] {strides = array<i32>} : memref<8000xf32, #tpu.memory_space<vmem>>, vector<16xf32>,
      %parallel_loop3A_114 = vector.shape_cast %parallel_loop3A_113 : vector<16xf32> to vector<16xf32>
      %parallel_loop3A_115 = arith.constant 0 : i32
      %parallel_loop3A_116 = arith.constant 32 : i32
      %parallel_loop3A_117 = arith.constant 1 : i32
      scf.for %parallel_loop3A_118 = %parallel_loop3A_115 to %parallel_loop3A_116 step %parallel_loop3A_117  : i32 {
        %parallel_loop3A_119 = arith.constant 16 : i32
        %parallel_loop3A_120 = arith.muli %parallel_loop3A_118, %parallel_loop3A_119 : i32
        %parallel_loop3A_121 = arith.index_cast %parallel_loop3A_120 : i32 to index
        %parallel_loop3A_122 = tpu.vector_load %arg7[%parallel_loop3A_121] {strides = array<i32>} : memref<512xi32, #tpu.memory_space<vmem>>, vector<16xi32>,
        %parallel_loop3A_123 = vector.shape_cast %parallel_loop3A_122 : vector<16xi32> to vector<16xi32>
        %parallel_loop3A_124 = arith.constant 8 : i32
        %parallel_loop3A_125 = vector.broadcast %parallel_loop3A_124 : i32 to vector<16xi32>
        %parallel_loop3A_126 = arith.addi %parallel_loop3A_123, %parallel_loop3A_125 : vector<16xi32>
        %parallel_loop3A_127 = arith.index_cast %parallel_loop3A_102 : i32 to index
        %parallel_loop3A_128 = arith.index_cast %parallel_loop3A_120 : i32 to index
        %parallel_loop3A_129 = tpu.vector_load %arg11[%parallel_loop3A_127, %parallel_loop3A_128] {strides = array<i32>} : memref<40x512xf32, #tpu.memory_space<vmem>>, vector<1x16xf32>,
        %parallel_loop3A_130 = vector.shape_cast %parallel_loop3A_129 : vector<1x16xf32> to vector<16xf32>
        %parallel_loop3A_131 = arith.constant 1 : i32
        %parallel_loop3A_132 = arith.addi %parallel_loop3A_102, %parallel_loop3A_131 : i32
        %parallel_loop3A_133 = arith.index_cast %parallel_loop3A_132 : i32 to index
        %parallel_loop3A_134 = arith.index_cast %parallel_loop3A_120 : i32 to index
        %parallel_loop3A_135 = tpu.vector_load %arg11[%parallel_loop3A_133, %parallel_loop3A_134] {strides = array<i32>} : memref<40x512xf32, #tpu.memory_space<vmem>>, vector<1x16xf32>,
        %parallel_loop3A_136 = vector.shape_cast %parallel_loop3A_135 : vector<1x16xf32> to vector<16xf32>
        %parallel_loop3A_137 = vector.shape_cast %parallel_loop3A_123 : vector<16xi32> to vector<16x1xi32>
        %parallel_loop3A_138 = vector.shape_cast %parallel_loop3A_137 : vector<16x1xi32> to vector<16xi32>
        %parallel_loop3A_139 = tpu.dynamic_gather %parallel_loop3A_109[%parallel_loop3A_138] in [0] : vector<16xf32>, vector<16xi32> -> vector<16xf32>
        %parallel_loop3A_140 = arith.mulf %parallel_loop3A_130, %parallel_loop3A_139 : vector<16xf32>
        %parallel_loop3A_141 = vector.shape_cast %parallel_loop3A_123 : vector<16xi32> to vector<16x1xi32>
        %parallel_loop3A_142 = vector.shape_cast %parallel_loop3A_141 : vector<16x1xi32> to vector<16xi32>
        %parallel_loop3A_143 = tpu.dynamic_gather %parallel_loop3A_114[%parallel_loop3A_142] in [0] : vector<16xf32>, vector<16xi32> -> vector<16xf32>
        %parallel_loop3A_144 = arith.addf %parallel_loop3A_140, %parallel_loop3A_143 : vector<16xf32>
        %parallel_loop3A_145 = arith.index_cast %parallel_loop3A_102 : i32 to index
        %parallel_loop3A_146 = arith.index_cast %parallel_loop3A_120 : i32 to index
        %parallel_loop3A_147 = tpu.vector_load %arg13[%parallel_loop3A_145, %parallel_loop3A_146] {strides = array<i32>} : memref<40x512xf32, #tpu.memory_space<vmem>>, vector<1x16xf32>,
        %parallel_loop3A_148 = vector.shape_cast %parallel_loop3A_147 : vector<1x16xf32> to vector<16xf32>
        %parallel_loop3A_149 = vector.shape_cast %parallel_loop3A_144 : vector<16xf32> to vector<1x16xf32>
        tpu.vector_store %arg13[%parallel_loop3A_145, %parallel_loop3A_146], %parallel_loop3A_149 {strides = array<i32>} : memref<40x512xf32, #tpu.memory_space<vmem>>, vector<1x16xf32>,
        %parallel_loop3A_150 = vector.shape_cast %parallel_loop3A_126 : vector<16xi32> to vector<16x1xi32>
        %parallel_loop3A_151 = vector.shape_cast %parallel_loop3A_150 : vector<16x1xi32> to vector<16xi32>
        %parallel_loop3A_152 = tpu.dynamic_gather %parallel_loop3A_109[%parallel_loop3A_151] in [0] : vector<16xf32>, vector<16xi32> -> vector<16xf32>
        %parallel_loop3A_153 = arith.mulf %parallel_loop3A_136, %parallel_loop3A_152 : vector<16xf32>
        %parallel_loop3A_154 = vector.shape_cast %parallel_loop3A_126 : vector<16xi32> to vector<16x1xi32>
        %parallel_loop3A_155 = vector.shape_cast %parallel_loop3A_154 : vector<16x1xi32> to vector<16xi32>
        %parallel_loop3A_156 = tpu.dynamic_gather %parallel_loop3A_114[%parallel_loop3A_155] in [0] : vector<16xf32>, vector<16xi32> -> vector<16xf32>
        %parallel_loop3A_157 = arith.addf %parallel_loop3A_153, %parallel_loop3A_156 : vector<16xf32>
        %parallel_loop3A_158 = arith.constant 1 : i32
        %parallel_loop3A_159 = arith.addi %parallel_loop3A_102, %parallel_loop3A_158 : i32
        %parallel_loop3A_160 = arith.index_cast %parallel_loop3A_159 : i32 to index
        %parallel_loop3A_161 = arith.index_cast %parallel_loop3A_120 : i32 to index
        %parallel_loop3A_162 = tpu.vector_load %arg13[%parallel_loop3A_160, %parallel_loop3A_161] {strides = array<i32>} : memref<40x512xf32, #tpu.memory_space<vmem>>, vector<1x16xf32>,
        %parallel_loop3A_163 = vector.shape_cast %parallel_loop3A_162 : vector<1x16xf32> to vector<16xf32>
        %parallel_loop3A_164 = vector.shape_cast %parallel_loop3A_157 : vector<16xf32> to vector<1x16xf32>
        tpu.vector_store %arg13[%parallel_loop3A_160, %parallel_loop3A_161], %parallel_loop3A_164 {strides = array<i32>} : memref<40x512xf32, #tpu.memory_space<vmem>>, vector<1x16xf32>,
      } {sc.loop_unroll_factor = 4 : i64, sc.parallel_access}
    } {sc.loop_unroll_factor = 1 : i64, sc.parallel_access}
    %dma_start3A_73 = arith.constant 920 : i32
    %dma_start3A_74 = tpu.memref_slice %arg6[%dma_start3A_73, %mul3A_2] : memref<1000x16384xf32, #tpu.memory_space<hbm>> -> memref<40x512xf32, #tpu.memory_space<hbm>>
    %dma_start3A_75 = arith.constant 920 : i32
    %dma_start3A_76 = tpu.memref_slice %arg6[%dma_start3A_75, %mul3A_2] : memref<1000x16384xf32, #tpu.memory_space<hbm>> -> memref<40x512xf32, #tpu.memory_space<hbm>>
    tpu.enqueue_dma source(%arg13 : memref<40x512xf32, #tpu.memory_space<vmem>>) target(%dma_start3A_76 : memref<40x512xf32, #tpu.memory_space<hbm>>) target_semaphore(%arg17 : memref<!tpu.dma_semaphore, #tpu.memory_space<semaphore_mem>>)
    %dma_wait3A_77 = arith.constant 960 : i32
    %dma_wait3A_78 = tpu.memref_slice %arg2[%dma_wait3A_77, %mul3A_2] : memref<1000x16384xf32, #tpu.memory_space<hbm>> -> memref<40x512xf32, #tpu.memory_space<hbm>>
    %dma_wait3A_79 = arith.constant 960 : i32
    %dma_wait3A_80 = tpu.memref_slice %arg2[%dma_wait3A_79, %mul3A_2] : memref<1000x16384xf32, #tpu.memory_space<hbm>> -> memref<40x512xf32, #tpu.memory_space<hbm>>
    tpu.wait_dma2 semaphore(%arg14 : memref<!tpu.dma_semaphore, #tpu.memory_space<semaphore_mem>>) src(%dma_wait3A_80 : memref<40x512xf32, #tpu.memory_space<hbm>>) dst(%arg10 : memref<40x512xf32, #tpu.memory_space<vmem>>)
    %dma_wait3A_81 = arith.constant 880 : i32
    %dma_wait3A_82 = tpu.memref_slice %arg6[%dma_wait3A_81, %mul3A_2] : memref<1000x16384xf32, #tpu.memory_space<hbm>> -> memref<40x512xf32, #tpu.memory_space<hbm>>
    %dma_wait3A_83 = arith.constant 880 : i32
    %dma_wait3A_84 = tpu.memref_slice %arg6[%dma_wait3A_83, %mul3A_2] : memref<1000x16384xf32, #tpu.memory_space<hbm>> -> memref<40x512xf32, #tpu.memory_space<hbm>>
    tpu.wait_dma2 semaphore(%arg16 : memref<!tpu.dma_semaphore, #tpu.memory_space<semaphore_mem>>) src(%arg12 : memref<40x512xf32, #tpu.memory_space<vmem>>) dst(%dma_wait3A_84 : memref<40x512xf32, #tpu.memory_space<hbm>>)
    %parallel_loop3A_85 = arith.constant 0 : i32
    %parallel_loop3A_86 = arith.constant 20 : i32
    %parallel_loop3A_87 = arith.constant 1 : i32
    scf.for %parallel_loop3A_100 = %parallel_loop3A_85 to %parallel_loop3A_86 step %parallel_loop3A_87  : i32 {
      %parallel_loop3A_101 = arith.constant 2 : i32
      %parallel_loop3A_102 = arith.muli %parallel_loop3A_101, %parallel_loop3A_100 : i32
      %parallel_loop3A_103 = arith.constant 960 : i32
      %parallel_loop3A_104 = arith.addi %parallel_loop3A_103, %parallel_loop3A_102 : i32
      %parallel_loop3A_105 = arith.constant 8 : i32
      %parallel_loop3A_106 = arith.muli %parallel_loop3A_105, %parallel_loop3A_104 : i32
      %parallel_loop3A_107 = arith.index_cast %parallel_loop3A_106 : i32 to index
      %parallel_loop3A_108 = tpu.vector_load %arg8[%parallel_loop3A_107] {strides = array<i32>} : memref<8000xf32, #tpu.memory_space<vmem>>, vector<16xf32>,
      %parallel_loop3A_109 = vector.shape_cast %parallel_loop3A_108 : vector<16xf32> to vector<16xf32>
      %parallel_loop3A_110 = arith.constant 8 : i32
      %parallel_loop3A_111 = arith.muli %parallel_loop3A_110, %parallel_loop3A_104 : i32
      %parallel_loop3A_112 = arith.index_cast %parallel_loop3A_111 : i32 to index
      %parallel_loop3A_113 = tpu.vector_load %arg9[%parallel_loop3A_112] {strides = array<i32>} : memref<8000xf32, #tpu.memory_space<vmem>>, vector<16xf32>,
      %parallel_loop3A_114 = vector.shape_cast %parallel_loop3A_113 : vector<16xf32> to vector<16xf32>
      %parallel_loop3A_115 = arith.constant 0 : i32
      %parallel_loop3A_116 = arith.constant 32 : i32
      %parallel_loop3A_117 = arith.constant 1 : i32
      scf.for %parallel_loop3A_118 = %parallel_loop3A_115 to %parallel_loop3A_116 step %parallel_loop3A_117  : i32 {
        %parallel_loop3A_119 = arith.constant 16 : i32
        %parallel_loop3A_120 = arith.muli %parallel_loop3A_118, %parallel_loop3A_119 : i32
        %parallel_loop3A_121 = arith.index_cast %parallel_loop3A_120 : i32 to index
        %parallel_loop3A_122 = tpu.vector_load %arg7[%parallel_loop3A_121] {strides = array<i32>} : memref<512xi32, #tpu.memory_space<vmem>>, vector<16xi32>,
        %parallel_loop3A_123 = vector.shape_cast %parallel_loop3A_122 : vector<16xi32> to vector<16xi32>
        %parallel_loop3A_124 = arith.constant 8 : i32
        %parallel_loop3A_125 = vector.broadcast %parallel_loop3A_124 : i32 to vector<16xi32>
        %parallel_loop3A_126 = arith.addi %parallel_loop3A_123, %parallel_loop3A_125 : vector<16xi32>
        %parallel_loop3A_127 = arith.index_cast %parallel_loop3A_102 : i32 to index
        %parallel_loop3A_128 = arith.index_cast %parallel_loop3A_120 : i32 to index
        %parallel_loop3A_129 = tpu.vector_load %arg10[%parallel_loop3A_127, %parallel_loop3A_128] {strides = array<i32>} : memref<40x512xf32, #tpu.memory_space<vmem>>, vector<1x16xf32>,
        %parallel_loop3A_130 = vector.shape_cast %parallel_loop3A_129 : vector<1x16xf32> to vector<16xf32>
        %parallel_loop3A_131 = arith.constant 1 : i32
        %parallel_loop3A_132 = arith.addi %parallel_loop3A_102, %parallel_loop3A_131 : i32
        %parallel_loop3A_133 = arith.index_cast %parallel_loop3A_132 : i32 to index
        %parallel_loop3A_134 = arith.index_cast %parallel_loop3A_120 : i32 to index
        %parallel_loop3A_135 = tpu.vector_load %arg10[%parallel_loop3A_133, %parallel_loop3A_134] {strides = array<i32>} : memref<40x512xf32, #tpu.memory_space<vmem>>, vector<1x16xf32>,
        %parallel_loop3A_136 = vector.shape_cast %parallel_loop3A_135 : vector<1x16xf32> to vector<16xf32>
        %parallel_loop3A_137 = vector.shape_cast %parallel_loop3A_123 : vector<16xi32> to vector<16x1xi32>
        %parallel_loop3A_138 = vector.shape_cast %parallel_loop3A_137 : vector<16x1xi32> to vector<16xi32>
        %parallel_loop3A_139 = tpu.dynamic_gather %parallel_loop3A_109[%parallel_loop3A_138] in [0] : vector<16xf32>, vector<16xi32> -> vector<16xf32>
        %parallel_loop3A_140 = arith.mulf %parallel_loop3A_130, %parallel_loop3A_139 : vector<16xf32>
        %parallel_loop3A_141 = vector.shape_cast %parallel_loop3A_123 : vector<16xi32> to vector<16x1xi32>
        %parallel_loop3A_142 = vector.shape_cast %parallel_loop3A_141 : vector<16x1xi32> to vector<16xi32>
        %parallel_loop3A_143 = tpu.dynamic_gather %parallel_loop3A_114[%parallel_loop3A_142] in [0] : vector<16xf32>, vector<16xi32> -> vector<16xf32>
        %parallel_loop3A_144 = arith.addf %parallel_loop3A_140, %parallel_loop3A_143 : vector<16xf32>
        %parallel_loop3A_145 = arith.index_cast %parallel_loop3A_102 : i32 to index
        %parallel_loop3A_146 = arith.index_cast %parallel_loop3A_120 : i32 to index
        %parallel_loop3A_147 = tpu.vector_load %arg12[%parallel_loop3A_145, %parallel_loop3A_146] {strides = array<i32>} : memref<40x512xf32, #tpu.memory_space<vmem>>, vector<1x16xf32>,
        %parallel_loop3A_148 = vector.shape_cast %parallel_loop3A_147 : vector<1x16xf32> to vector<16xf32>
        %parallel_loop3A_149 = vector.shape_cast %parallel_loop3A_144 : vector<16xf32> to vector<1x16xf32>
        tpu.vector_store %arg12[%parallel_loop3A_145, %parallel_loop3A_146], %parallel_loop3A_149 {strides = array<i32>} : memref<40x512xf32, #tpu.memory_space<vmem>>, vector<1x16xf32>,
        %parallel_loop3A_150 = vector.shape_cast %parallel_loop3A_126 : vector<16xi32> to vector<16x1xi32>
        %parallel_loop3A_151 = vector.shape_cast %parallel_loop3A_150 : vector<16x1xi32> to vector<16xi32>
        %parallel_loop3A_152 = tpu.dynamic_gather %parallel_loop3A_109[%parallel_loop3A_151] in [0] : vector<16xf32>, vector<16xi32> -> vector<16xf32>
        %parallel_loop3A_153 = arith.mulf %parallel_loop3A_136, %parallel_loop3A_152 : vector<16xf32>
        %parallel_loop3A_154 = vector.shape_cast %parallel_loop3A_126 : vector<16xi32> to vector<16x1xi32>
        %parallel_loop3A_155 = vector.shape_cast %parallel_loop3A_154 : vector<16x1xi32> to vector<16xi32>
        %parallel_loop3A_156 = tpu.dynamic_gather %parallel_loop3A_114[%parallel_loop3A_155] in [0] : vector<16xf32>, vector<16xi32> -> vector<16xf32>
        %parallel_loop3A_157 = arith.addf %parallel_loop3A_153, %parallel_loop3A_156 : vector<16xf32>
        %parallel_loop3A_158 = arith.constant 1 : i32
        %parallel_loop3A_159 = arith.addi %parallel_loop3A_102, %parallel_loop3A_158 : i32
        %parallel_loop3A_160 = arith.index_cast %parallel_loop3A_159 : i32 to index
        %parallel_loop3A_161 = arith.index_cast %parallel_loop3A_120 : i32 to index
        %parallel_loop3A_162 = tpu.vector_load %arg12[%parallel_loop3A_160, %parallel_loop3A_161] {strides = array<i32>} : memref<40x512xf32, #tpu.memory_space<vmem>>, vector<1x16xf32>,
        %parallel_loop3A_163 = vector.shape_cast %parallel_loop3A_162 : vector<1x16xf32> to vector<16xf32>
        %parallel_loop3A_164 = vector.shape_cast %parallel_loop3A_157 : vector<16xf32> to vector<1x16xf32>
        tpu.vector_store %arg12[%parallel_loop3A_160, %parallel_loop3A_161], %parallel_loop3A_164 {strides = array<i32>} : memref<40x512xf32, #tpu.memory_space<vmem>>, vector<1x16xf32>,
      } {sc.loop_unroll_factor = 4 : i64, sc.parallel_access}
    } {sc.loop_unroll_factor = 1 : i64, sc.parallel_access}
    %dma_start3A_88 = arith.constant 960 : i32
    %dma_start3A_89 = tpu.memref_slice %arg6[%dma_start3A_88, %mul3A_2] : memref<1000x16384xf32, #tpu.memory_space<hbm>> -> memref<40x512xf32, #tpu.memory_space<hbm>>
    %dma_start3A_90 = arith.constant 960 : i32
    %dma_start3A_91 = tpu.memref_slice %arg6[%dma_start3A_90, %mul3A_2] : memref<1000x16384xf32, #tpu.memory_space<hbm>> -> memref<40x512xf32, #tpu.memory_space<hbm>>
    tpu.enqueue_dma source(%arg12 : memref<40x512xf32, #tpu.memory_space<vmem>>) target(%dma_start3A_91 : memref<40x512xf32, #tpu.memory_space<hbm>>) target_semaphore(%arg16 : memref<!tpu.dma_semaphore, #tpu.memory_space<semaphore_mem>>)
    %dma_wait3A_92 = arith.constant 920 : i32
    %dma_wait3A_93 = tpu.memref_slice %arg6[%dma_wait3A_92, %mul3A_2] : memref<1000x16384xf32, #tpu.memory_space<hbm>> -> memref<40x512xf32, #tpu.memory_space<hbm>>
    %dma_wait3A_94 = arith.constant 920 : i32
    %dma_wait3A_95 = tpu.memref_slice %arg6[%dma_wait3A_94, %mul3A_2] : memref<1000x16384xf32, #tpu.memory_space<hbm>> -> memref<40x512xf32, #tpu.memory_space<hbm>>
    tpu.wait_dma2 semaphore(%arg17 : memref<!tpu.dma_semaphore, #tpu.memory_space<semaphore_mem>>) src(%arg13 : memref<40x512xf32, #tpu.memory_space<vmem>>) dst(%dma_wait3A_95 : memref<40x512xf32, #tpu.memory_space<hbm>>)
    %dma_wait3A_96 = arith.constant 960 : i32
    %dma_wait3A_97 = tpu.memref_slice %arg6[%dma_wait3A_96, %mul3A_2] : memref<1000x16384xf32, #tpu.memory_space<hbm>> -> memref<40x512xf32, #tpu.memory_space<hbm>>
    %dma_wait3A_98 = arith.constant 960 : i32
    %dma_wait3A_99 = tpu.memref_slice %arg6[%dma_wait3A_98, %mul3A_2] : memref<1000x16384xf32, #tpu.memory_space<hbm>> -> memref<40x512xf32, #tpu.memory_space<hbm>>
    tpu.wait_dma2 semaphore(%arg16 : memref<!tpu.dma_semaphore, #tpu.memory_space<semaphore_mem>>) src(%arg12 : memref<40x512xf32, #tpu.memory_space<vmem>>) dst(%dma_wait3A_99 : memref<40x512xf32, #tpu.memory_space<hbm>>)
    return
  }
}

</mosaic_0001>

<sc_bundles>
// kernel: kernel.3.cloned.1.call-start
scs
__scs_entry_jumppad:
0x0: {  	(pc) =	sbr.rel $0x88, $3  }
0x1: {  	(tag) =	ssettag $0x0;
	lr =	simm.s32 $0x1  }
0x2: {  	[smem:$0x3F9D] =	sst lr;
	_ =	strace $0xD0000000  }
0x3: {  	_ = 	snop  }
0x4: {  	_ = 	snop  }
0x5: {  	_ = 	snop  }
0x6: {  	_ = 	snop  }
0x7: {  	_ = 	snop  }
__scs_overlays_trampoline_lowered:
0x8: {  	[smem:$0x3FAC] =	sst s0  }
0x9: {  	[smem:$0x3FAD] =	sst s1  }
0xa: {  	[smem:$0x3FAE] =	sst s2  }
0xb: {  	[smem:$0x3FAF] =	sst s3  }
0xc: {  	[smem:$0x3FB0] =	sst s4  }
0xd: {  	[smem:$0x3FB1] =	sst s5  }
0xe: {  	[smem:$0x3FB2] =	sst s6  }
0xf: {  	[smem:$0x3FB3] =	sst s7  }
0x10: {  	[smem:$0x3FB4] =	sst s8  }
0x11: {  	[smem:$0x3FB5] =	sst s9;
	s0 =	simm.s32 @!p0 $0x0  }
0x12: {  	s1 =	sld [smem:$0x3F9B];
	s0 =	simm.s32 @p0 $0x1  }
0x13: {  	[smem:$0x3FB6] =	sst s0;
	s0 =	simm.s32 @!p1 $0x0  }
0x14: {  	s2 =	sld [smem:$0x3F9A];
	s0 =	simm.s32 @p1 $0x1  }
0x15: {  	[smem:$0x3FB7] =	sst s0;
	s0 =	simm.s32 @!p2 $0x0  }
0x16: {  	s3 =	sld [smem:$0x3FDB];
	s0 =	simm.s32 @p2 $0x1  }
0x17: {  	s4 =	simm.s32 $0x1BF5;
	[smem:$0x3FB9] =	sst s0  }
0x18: {  	s0 =	sld [smem:$0x3F9C];
	_ =	swait.ge [sflag:s4], $0x0  }
0x19: {  	s7 =	sld [smem:$0x3F9D]  }
0x1a: {  	s8 =	sadd.s32 $0xFFFFE003, lr  }
0x1b: {  	s9 =	sadd.s32 $0xFFFFFEF7, lr;
	s5 =	simm.s32 $0xFFFFFFFF;
	p2 =	slt.u32 s8, $0xFFFFF086  }
0x1c: {  	p1 =	slt.u32 s9, $0xF7A;
	s5 =	simm.s32 @!p2 $0x0  }
0x1d: {  	s5 =	simm.s32 @p1 $0x1;
	p0 =	seq.s32 s7, s2  }
0x1e: {  	s7 =	smul.u32 @!p0 $0xF7A, s2;
	p2 =	seq.s32 @!p0 s5, $0x0  }
0x1f: {  	s9 =	smul.u32 $0xF7A, s1;
	s8 =	simm.s32 @!p0 $0x1BF5;
	p2 =	por !p2, p0  }
0x20: {  	[sflag:s8] =	ssyncset.s32 @!p0 $0xFFFFF086;
	s6 =	sadd.s32 @!p0 s3, s7;
	s7 =	simm.s32 @!p0 $0x108  }
0x21: {  	s3 =	sadd.s32 s3, s9;
	s6 =	sadd.s32 @!p0 $0x88, s6;
	s7 =	simm.s32 @p2 $0x1082  }
0x22: {  	[simem:s7], [sflag:s8] =	dma.local @!p0 [hbm:s6], $0xF7A  }
0x23: {  	s9 =	sor.u32 $0xD0000000, s2;
	s6 =	simm.s32 $0x108;
	_ =	swait.ge @!p0 [sflag:s8], $0x0  }
0x24: {  	s3 =	sadd.s32 $0x88, s3;
	s6 =	simm.s32 @!p1 $0x1082;
	[sflag:s4] =	ssyncset.s32 $0xFFFFF086  }
0x25: {  	[simem:s6], [sflag:s4] =	dma.local [hbm:s3], $0xF7A  }
0x26: {  	[smem:$0x3F9D] =	sst s1;
	(tag) =	ssettag s2;
	_ =	strace s9  }
0x27: {  	s1 =	sld [smem:$0x3FAD]  }
0x28: {  	s2 =	sld [smem:$0x3FAE]  }
0x29: {  	s4 =	sld [smem:$0x3FB0]  }
0x2a: {  	p0 =	seq.s32 s5, $0x0;
	s5 =	sld [smem:$0x3FB1]  }
0x2b: {  	s6 =	sld [smem:$0x3FB2]  }
0x2c: {  	s7 =	sld [smem:$0x3FB3]  }
0x2d: {  	s3 =	simm.s32 $0x108;
	s8 =	sld [smem:$0x3FB4]  }
0x2e: {  	s3 =	simm.s32 @!p0 $0x1082;
	s9 =	sld [smem:$0x3FB5]  }
0x2f: {  	lr =	sadd.s32 s0, s3;
	s0 =	sld [smem:$0x3FAC]  }
0x30: {  	s3 =	sld [smem:$0x3FAF]  }
0x31: {  	[smem:$0x3FB8] =	sst s10  }
0x32: {  	s10 =	sld [smem:$0x3FB6];
	_ =	sdelay $0x3  }
0x33: {  	p0 =	seq.s32 s10, $0x1;
	s10 =	sld [smem:$0x3FB8];
	_ =	sdelay $0x3  }
0x34: {  	[smem:$0x3FB8] =	sst s10  }
0x35: {  	s10 =	sld [smem:$0x3FB7];
	_ =	sdelay $0x3  }
0x36: {  	p1 =	seq.s32 s10, $0x1;
	s10 =	sld [smem:$0x3FB8];
	_ =	sdelay $0x3  }
0x37: {  	[smem:$0x3FB8] =	sst s10  }
0x38: {  	s10 =	sld [smem:$0x3FB9]  }
0x39: {  	_ = 	snop;
	(pc) =	sbr.ind lr, $3  }
0x3a: {  	_ = 	snop  }
0x3b: {  	_ = 	snop  }
0x3c: {  	p2 =	seq.s32 s10, $0x1;
	s10 =	sld [smem:$0x3FB8]  }
0x3d: {  	_ =	shalt  }
0x3e: {  	_ =	shalt  }
0x3f: {  	_ =	shalt  }
0x40: {  	_ =	shalt  }
0x41: {  	_ =	shalt  }
0x42: {  	_ =	shalt  }
0x43: {  	_ =	shalt  }
0x44: {  	_ =	shalt  }
0x45: {  	_ =	shalt  }
0x46: {  	_ =	shalt  }
0x47: {  	_ =	shalt  }
0x48: {  	_ =	shalt  }
0x49: {  	_ =	shalt  }
0x4a: {  	_ =	shalt  }
0x4b: {  	_ =	shalt  }
0x4c: {  	_ =	shalt  }
0x4d: {  	_ =	shalt  }
0x4e: {  	_ =	shalt  }
0x4f: {  	_ =	shalt  }
0x50: {  	_ =	shalt  }
0x51: {  	_ =	shalt  }
0x52: {  	_ =	shalt  }
0x53: {  	_ =	shalt  }
0x54: {  	_ =	shalt  }
0x55: {  	_ =	shalt  }
0x56: {  	_ =	shalt  }
0x57: {  	_ =	shalt  }
0x58: {  	_ =	shalt  }
0x59: {  	_ =	shalt  }
0x5a: {  	_ =	shalt  }
0x5b: {  	_ =	shalt  }
0x5c: {  	_ =	shalt  }
0x5d: {  	_ =	shalt  }
0x5e: {  	_ =	shalt  }
0x5f: {  	_ =	shalt  }
0x60: {  	_ =	shalt  }
0x61: {  	_ =	shalt  }
0x62: {  	_ =	shalt  }
0x63: {  	_ =	shalt  }
0x64: {  	_ =	shalt  }
0x65: {  	_ =	shalt  }
0x66: {  	_ =	shalt  }
0x67: {  	_ =	shalt  }
0x68: {  	_ =	shalt  }
0x69: {  	_ =	shalt  }
0x6a: {  	_ =	shalt  }
0x6b: {  	_ =	shalt  }
0x6c: {  	_ =	shalt  }
0x6d: {  	_ =	shalt  }
0x6e: {  	_ =	shalt  }
0x6f: {  	_ =	shalt  }
0x70: {  	_ =	shalt  }
0x71: {  	_ =	shalt  }
0x72: {  	_ =	shalt  }
0x73: {  	_ =	shalt  }
0x74: {  	_ =	shalt  }
0x75: {  	_ =	shalt  }
0x76: {  	_ =	shalt  }
0x77: {  	_ =	shalt  }
0x78: {  	_ =	shalt  }
0x79: {  	_ =	shalt  }
0x7a: {  	_ =	shalt  }
0x7b: {  	_ =	shalt  }
0x7c: {  	_ =	shalt  }
0x7d: {  	_ =	shalt  }
0x7e: {  	_ =	shalt  }
0x7f: {  	_ =	shalt  }
0x80: {  	_ =	shalt  }
0x81: {  	_ =	shalt  }
0x82: {  	_ =	shalt  }
0x83: {  	_ =	shalt  }
0x84: {  	_ =	shalt  }
0x85: {  	_ =	shalt  }
0x86: {  	_ =	shalt  }
0x87: {  	_ =	shalt  }
.Lfunc_end0:
.L_simem_size_0:
called_computation_lowered:
.L_overlay_start_0:
0x88: {  	s2 =	sld [smem:$0x3FD9]  }
0x89: {  	s3 =	sld [smem:$0x3FFE];
	_ =	sdelay $0x1  }
0x8a: {  	s1 =	srdreg.scid  }
0x8b: {  	s0 =	sand.u32 $0x1, s1  }
0x8c: {  	s17 =	sshll.u32 s0, $0xA;
	s2 =	sadd.s32 s3, s2  }
0x8d: {  	s2 =	sadd.s32 s2, s17  }
0x8e: {  	[smem:$0x3FC4] =	sst s2  }
0x8f: {  	_ = 	snop  }
0x90: {  	s2 =	sld [smem:$0x3FC9]  }
0x91: {  	s18 =	sld [smem:$0x3FC8]  }
0x92: {  	s4 =	sld [smem:$0x3FD0];
	(tm) =	ssettm $0x1  }
0x93: {  	s5 =	sld [smem:$0x3FFB];
	_ =	sdelay $0x3  }
0x94: {  	_ =	strace s5  }
0x95: {  	s5 =	sld [smem:$0x3FFC];
	_ =	sdelay $0x3  }
0x96: {  	_ =	strace s5  }
0x97: {  	s5 =	sld [smem:$0x3FFD];
	_ =	sdelay $0x3  }
0x98: {  	_ =	strace s5  }
0x99: {  	_ =	strace $0x8FFFFFFF  }
0x9a: {  	s19 =	sld [smem:$0x3FDB];
	_ =	sdelay $0x1  }
0x9b: {  	s6 =	simm.s32 $_scs_section_size  }
0x9c: {  	s7 =	simm.s32 $_size__tile_overlayer_lowered;
	s8 =	simm.s32 $_tile_overlayer_lowered  }
0x9d: {  	s22 =	simm.s32 $0x1BFF;
	s21 =	sshll.u32 s8, $0x1;
	s5 =	sadd.s32 s6, s19  }
0x9e: {  	s9 =	simm.s32 $0x0;
	s20 =	sshll.u32 s7, $0x1;
	s7 =	sadd.s32 s21, s5  }
0x9f: {  	[timem:s9], [sflag:s22] =	dma.local [hbm:s7], s20  }
0xa0: {  	_ =	swait.ge [sflag:s22], s20  }
0xa1: {  	s6 =	ssub.s32 $0x0, s20;
	[sflag:s22] =	ssyncset.done $0x0  }
0xa2: {  	[sflag:s22] =	ssyncadd.s32 s6;
	_ =	sdelay $0x1  }
0xa3: {  	s23 =	simm.s32 $0x1B8B  }
0xa4: {  	_ =	swait.ge [sflag:s23], $0x1  }
0xa5: {  	[sflag:s23] =	ssyncset.done $0x0  }
0xa6: {  	s25 =	simm.s32 $0x1B8E;
	s24 =	sld [smem:$0x3FFE];
	[sflag:s23] =	ssyncadd.s32 $0xFFFFFFFF  }
0xa7: {  	s26 =	simm.s32 $execute0_lowered;
	[smem:$0x3FD2] =	sst s25  }
0xa8: {  	s7 =	sshll.u32 s26, $0x1;
	_ =	strace $0x80000046;
	[dreg:$0x1] =	wrdreg $0xFFFFFFFF  }
0xa9: {  	s28 =	simm.s32 $_size_execute0_lowered;
	s5 =	sadd.s32 s5, s7;
	[dreg:$0x0] =	wrdreg $0x0  }
0xaa: {  	s7 =	sshll.u32 s28, $0x1;
	[dreg:$0x2] =	wrdreg s5  }
0xab: {  	[dreg:$0x3] =	wrdreg s7  }
0xac: {  	[dreg:$0x4] =	wrdreg $0xC0  }
0xad: {  	_ =	task [dreg:s9], $0x5FFFF  }
0xae: {  	[dreg:$0x1] =	wrdreg $0xFFFFFFFF  }
0xaf: {  	[dreg:$0x0] =	wrdreg $0x60  }
0xb0: {  	[dreg:$0x2] =	wrdreg s2  }
0xb1: {  	[dreg:$0x3] =	wrdreg s18  }
0xb2: {  	[dreg:$0x4] =	wrdreg s24  }
0xb3: {  	[dreg:$0x5] =	wrdreg s4  }
0xb4: {  	[dreg:$0x6] =	wrdreg $0x9  }
0xb5: {  	_ =	task.clear_ibuf [dreg:s9], $0x7FFFF;
	_ =	strace $0x90000046  }
0xb6: {  	s29 =	simm.s32 $0x9;
	_ =	strace $0x80000048  }
0xb7: {  	_ =	swait.ge [sflag:s29], $0x1  }
0xb8: {  	[sflag:s29] =	ssyncadd.s32 $0xFFFFFFFF  }
0xb9: {  	_ =	strace $0x90000048  }
0xba: {  	_ =	sfence  }
0xbb: {  	s30 =	sld [smem:$0x0];
	_ =	sdelay $0x2  }
0xbc: {  	s31 =	sshll.u32 s1, $0xD;
	s1 =	sshrl.u32 s1, $0x2  }
0xbd: {  	s3 =	sand.u32 $0x4000, s31;
	s1 =	sadd.s32 s1, s30  }
0xbe: {  	s0 =	sor.u32 s3, s0;
	s1 =	sshll.u32 s1, $0x11  }
0xbf: {  	s0 =	sor.u32 s1, s0  }
0xc0: {  	s0 =	sadd.s32 $0x8F2B, s0  }
0xc1: {  	[sflag:s0] =	ssyncadd.remote.s32 $0x1  }
0xc2: {  	_ =	sfence.sel $0xFFFF  }
0xc3: {  	[dreg:$0x0] =	wrdreg $0xFFFFFFFF;
	(pc) =	sbr.abs _section_cstart, $3  }
0xc4: {  	[dreg:$0x1] =	wrdreg $0xFFFFFFFF  }
0xc5: {  	_ =	task.clear_ibuf [dreg:s9], $0x2FFFF;
	_ =	strace $0x9FFFFFFF  }
0xc6: {  	(tm) =	ssettm $0x7FFFFFFF  }
0xc7: {  	_ =	shalt  }
tec
execute0_lowered:
.L_overlay_start_1:
0x0: {  	(tag) =	ssettag $0x1  }
0x1: {  	s0 =	rddreg [dreg:$0x0]  }
0x2: {  	s1 =	rddreg [dreg:$0x1]  }
0x3: {  	s2 =	rddreg [dreg:$0x2]  }
0x4: {  	s3 =	rddreg [dreg:$0x3];
	s4 =	simm.s32 $0x0;
	s18 =	srdreg.scid  }
0x5: {  	s6 =	stileid.u32;
	[smem:$0x7FF] =	sst s4  }
0x6: {  	s5 =	sadd.s32 $0x400, s2;
	s4 =	sand.u32 $0x1, s18;
	s6 =	sshll.u32 s6, $0xA  }
0x7: {  	s2 =	sadd.s32 $0x800, s2;
	s19 =	ssub.s32 $0x2, s4;
	s4 =	sshll.u32 s4, $0x9  }
0x8: {  	_ =	strace $0x80000047;
	[dreg:$0x5] =	wrdreg s5;
	s4 =	sor.u32 s4, s6  }
0x9: {  	[dreg:$0x6] =	wrdreg s2;
	s22 =	sadd.s32 s0, s4  }
0xa: {  	s21 =	sshrl.u32 s4, $0x3;
	s24 =	sadd.s32 s3, s4;
	[dreg:$0x8] =	wrdreg s22  }
0xb: {  	s6 =	sor.u32 $0x14000, s4;
	s1 =	sadd.s32 s1, s21;
	[dreg:$0xa] =	wrdreg s24  }
0xc: {  	s23 =	sadd.s32 s0, s6;
	[dreg:$0x7] =	wrdreg s1  }
0xd: {  	s7 =	sadd.s32 $0x28000, s22;
	[dreg:$0x9] =	wrdreg s23  }
0xe: {  	s6 =	sadd.s32 s3, s6;
	[dreg:$0xb] =	wrdreg s7  }
0xf: {  	s26 =	sor.u32 $0x1E0000, s4;
	s25 =	sadd.s32 $0x1B8000, s24;
	[dreg:$0xc] =	wrdreg s6  }
0x10: {  	s0 =	sadd.s32 s0, s26;
	[dreg:$0xe] =	wrdreg s25  }
0x11: {  	s20 =	sshrl.u32 s19, $0x1;
	s28 =	sadd.s32 $0x1CC000, s24;
	[dreg:$0xf] =	wrdreg s0  }
0x12: {  	s2 =	ssub.s32 s19, s20;
	s29 =	sadd.s32 s3, s26;
	[dreg:$0x10] =	wrdreg s28  }
0x13: {  	s31 =	smax.u32 s2, $0x1;
	[dreg:$0x11] =	wrdreg s29  }
0x14: {  	s30 =	simm.s32 $0x20000;
	s1 =	sadd.s32 $0x3C000, s22;
	[dreg:$0x12] =	wrdreg s31  }
0x15: {  	s21 =	simm.s32 $0x1000;
	s2 =	simm.s32 $0x0;
	[dreg:$0xd] =	wrdreg s1  }
.LBB2_1:
0x16: {  	[dreg:$0x13] =	wrdreg s2  }
0x17: {  	s0 =	simm.s32 $0x0;
	s1 =	rddreg [dreg:$0x7];
	s20 =	simm.s32 $0x5  }
0x18: {  	[tilespmem:s0], [sflag:$0x5] =	stream.linear.gather [hbm4b:s1+s0], $0x200, $0x38;
	[tilespmem:$0x18100] =	vst v63  }
0x19: {  	_ =	swait.ge [sflag:s20], $0x200  }
0x1a: {  	[sflag:s20] =	ssyncset.done $0x0  }
0x1b: {  	s3 =	simm.s32 $0x200;
	s22 =	rddreg [dreg:$0x5];
	[sflag:s20] =	ssyncadd.s32 $0xFFFFFE00  }
0x1c: {  	[tilespmem:s3], [sflag:$0x5] =	stream.linear.gather [hbm4b:s22+s0], $0x1F80, $0x38;
	[tilespmem:$0x18100] =	vst v63  }
0x1d: {  	_ =	swait.ge [sflag:s20], $0x1F80  }
0x1e: {  	[sflag:s20] =	ssyncset.done $0x0  }
0x1f: {  	s24 =	simm.s32 $0x2180;
	s23 =	rddreg [dreg:$0x6];
	[sflag:s20] =	ssyncadd.s32 $0xFFFFE080  }
0x20: {  	[tilespmem:s24], [sflag:$0x5] =	stream.linear.gather [hbm4b:s23+s0], $0x1F80, $0x38;
	[tilespmem:$0x18100] =	vst v63  }
0x21: {  	_ =	swait.ge [sflag:s20], $0x1F80  }
0x22: {  	[sflag:s20] =	ssyncset.done $0x0  }
0x23: {  	s26 =	simm.s32 $0x4100;
	s25 =	rddreg [dreg:$0x8];
	[sflag:s20] =	ssyncadd.s32 $0xFFFFE080  }
0x24: {  	[tilespmem:s26], [sflag:$0x1] =	stream.strided.gather [hbm4b:s25+s21], $0x5000, s30, s21, $0x38;
	[tilespmem:$0x18100] =	vst v63  }
0x25: {  	s29 =	simm.s32 $0x9100;
	s31 =	simm.s32 $0x1;
	s28 =	rddreg [dreg:$0x9]  }
0x26: {  	[tilespmem:s29], [sflag:$0x2] =	stream.strided.gather [hbm4b:s28+s21], $0x5000, s30, s21, $0x38;
	[tilespmem:$0x18100] =	vst v63  }
0x27: {  	_ =	swait.ge [sflag:s31], $0x5000  }
0x28: {  	[sflag:s31] =	ssyncset.done $0x0  }
0x29: {  	s0 =	simm.s32 $0x0;
	[sflag:s31] =	ssyncadd.s32 $0xFFFFB000  }
.LBB2_2:
0x2a: {  	s1 =	sshll.u32 s0, $0x8;
	s4 =	sshll.u32 s0, $0x4  }
0x2b: {  	s3 =	simm.s32 $0x0;
	s2 =	sshll.u32 s0, $0xA;
	s26 =	simm.s32 $0x40;
	v1 =	vld [tilespmem:s4+$0x200]  }
0x2c: {  	s7 =	sand.u32 $0x40, s3;
	s2 =	sand.u32 $0x7000, s2;
	s9 =	sand.u32 $0x180, s3;
	v2 =	vld [tilespmem:s3+$0x0]  }
0x2d: {  	s6 =	sand.u32 $0xC00, s3;
	s3 =	sand.u32 $0x300, s1;
	v0 =	vld [tilespmem:s4+$0x2180];
	s10 =	sor.u32 $0x30, s7  }
0x2e: {  	v18 =	vld [tilespmem:s26+$0x0];
	s11 =	sor.u32 $0x20, s7;
	s19 =	sor.u32 s2, s6;
	s5 =	sor.u32 s10, s9  }
0x2f: {  	s18 =	sor.u32 s11, s9;
	s13 =	sor.u32 s3, s19;
	v3 =	vld [tilespmem:s5+$0x0]  }
0x30: {  	s4 =	sor.u32 $0x80, s3;
	v4 =	vld [tilespmem:s18+$0x0];
	s20 =	sor.u32 s10, s13  }
0x31: {  	s14 =	sor.u32 s4, s19;
	s24 =	sor.u32 s11, s13;
	v5 =	vld [tilespmem:s20+$0x4100]  }
0x32: {  	s5 =	sor.u32 s14, s7;
	v6 =	vld [tilespmem:s24+$0x4100];
	v7 =	vand.u32 $0xF, v2  }
0x33: {  	s15 =	sor.u32 $0x10, s7;
	s12 =	sor.u32 s14, s11;
	v2 =	vld [tilespmem:s5+$0x4100];
	v9 =	vxor.u32 $0x8, v7;
	v20 =	vperm.xlane v0, v7  }
0x34: {  	s16 =	sand.u32 $0x40, s26;
	s9 =	sor.u32 s15, s9;
	v12 =	vld [tilespmem:s12+$0x4100];
	v23 =	vperm.xlane v1, v7;
	v11 =	vperm.xlane v1, v9;
	v8 =	vand.u32 $0xF, v3  }
0x35: {  	s29 =	sor.u32 $0x20, s16;
	s23 =	sor.u32 s14, s15;
	s11 =	sand.u32 $0x180, s26;
	v9 =	vperm.xlane v0, v9;
	v3 =	vld [tilespmem:s9+$0x0];
	v4 =	vand.u32 $0xF, v4;
	v10 =	vperm.xlane v1, v8  }
0x36: {  	v15 =	vld [tilespmem:s23+$0x4100];
	s31 =	sor.u32 s29, s11;
	v13 =	vperm.xlane v1, v4;
	v16 =	vperm.xlane v0, v4;
	v4 =	vxor.u32 $0x8, v4  }
0x37: {  	v22 =	vld [tilespmem:s31+$0x0];
	s9 =	sor.u32 s7, s13;
	v14 =	vxor.u32 $0x8, v8;
	v8 =	vperm.xlane v0, v8;
	v17 =	vperm.xlane v1, v4  }
0x38: {  	s19 =	sor.u32 $0x30, s16;
	s10 =	sor.u32 s14, s10;
	v19 =	vld [tilespmem:s9+$0x4100];
	v2 =	vmul.f32 v11, v2;
	v4 =	vperm.xlane v0, v4  }
0x39: {  	s28 =	simm.s32 $0x200;
	s30 =	sor.u32 s19, s11;
	v24 =	vperm.xlane v0, v14;
	v6 =	vmul.f32 v13, v6;
	v13 =	vld [tilespmem:s10+$0x4100]  }
0x3a: {  	s18 =	sor.u32 s15, s13;
	s7 =	sand.u32 $0xC00, s28;
	v2 =	vadd.f32 v9, v2;
	v9 =	vld [tilespmem:s30+$0x0];
	v11 =	vand.u32 $0xF, v3;
	v3 =	vmul.f32 v17, v12  }
0x3b: {  	s17 =	sor.u32 s2, s7;
	v5 =	vmul.f32 v10, v5;
	v6 =	vadd.f32 v16, v6;
	v12 =	vld [tilespmem:s18+$0x4100];
	v16 =	vxor.u32 $0x8, v11  }
0x3c: {  	s22 =	sor.u32 s3, s17;
	v10 =	vperm.xlane v1, v14;
	v17 =	vperm.xlane v1, v16;
	v21 =	vadd.f32 v4, v3  }
0x3d: {  	s13 =	sor.u32 s29, s22;
	v3 =	vand.u32 $0xF, v18;
	v16 =	vperm.xlane v0, v16;
	v18 =	vperm.xlane v0, v11  }
0x3e: {  	s25 =	sor.u32 $0x10, s16;
	s7 =	sor.u32 s19, s22;
	v25 =	vld [tilespmem:s13+$0x4100];
	v8 =	vadd.f32 v8, v5;
	v14 =	vmul.f32 v17, v15;
	v15 =	vperm.xlane v1, v11  }
0x3f: {  	s11 =	sor.u32 s25, s11;
	s26 =	sor.u32 s4, s17;
	[tilespmem:s24+$0xE100] =	vst v6;
	v6 =	vand.u32 $0xF, v22;
	v22 =	vmul.f32 v23, v19;
	v4 =	vxor.u32 $0x8, v3;
	v17 =	vld [tilespmem:s7+$0x4100]  }
0x40: {  	v19 =	vmul.f32 v10, v13;
	v5 =	vand.u32 $0xF, v9;
	v11 =	vld [tilespmem:s11+$0x0];
	s11 =	sor.u32 s26, s16;
	v9 =	vmul.f32 v15, v12  }
0x41: {  	s14 =	sor.u32 s26, s29;
	[tilespmem:s20+$0xE100] =	vst v8;
	v8 =	vperm.xlane v1, v6;
	v7 =	vperm.xlane v1, v4;
	v13 =	vld [tilespmem:s11+$0x4100]  }
0x42: {  	[tilespmem:s12+$0xE100] =	vst v21;
	v21 =	vperm.xlane v1, v5;
	v26 =	vadd.f32 v16, v14;
	v14 =	vld [tilespmem:s14+$0x4100];
	v18 =	vadd.f32 v18, v9  }
0x43: {  	s17 =	simm.s32 $0x4;
	s15 =	sor.u32 s26, s25;
	v10 =	vxor.u32 $0x8, v5;
	v15 =	vperm.xlane v0, v6;
	v16 =	vxor.u32 $0x8, v6  }
0x44: {  	s1 =	sor.u32 s26, s19;
	s19 =	simm.s32 $0x80;
	s12 =	sor.u32 s25, s22;
	v12 =	vld [tilespmem:s15+$0x4100];
	v6 =	vperm.xlane v1, v10;
	v9 =	vmul.f32 v21, v17;
	[tilespmem:s18+$0xE100] =	vst v18;
	v18 =	vadd.f32 v24, v19  }
0x45: {  	s16 =	sor.u32 s16, s22;
	s22 =	simm.s32 $0x80;
	v20 =	vadd.f32 v20, v22;
	v17 =	vmul.f32 v8, v25;
	v8 =	vld [tilespmem:s1+$0x4100];
	v19 =	vperm.xlane v1, v16;
	s18 =	simm.s32 $0x400;
	[tilespmem:s23+$0xE100] =	vst v26  }
.LBB2_3:
0x46: {  	s6 =	sand.u32 $0x40, s19;
	v21 =	vld [tilespmem:s22+$0x0];
	s23 =	sand.u32 $0x180, s19;
	s17 =	sadd.s32 $0x4, s17;
	v7 =	vmul.f32 v7, v13;
	v4 =	vperm.xlane v0, v4;
	v13 =	vand.u32 $0xF, v11;
	[tilespmem:s10+$0xE100] =	vst v18  }
0x47: {  	s25 =	sor.u32 $0x10, s6;
	s26 =	sor.u32 $0x20, s6;
	s28 =	sor.u32 $0x30, s6;
	v18 =	vld [tilespmem:s16+$0x4100];
	v11 =	vadd.f32 v15, v17;
	v14 =	vmul.f32 v19, v14;
	v15 =	vperm.xlane v0, v16;
	[tilespmem:s9+$0xE100] =	vst v20  }
0x48: {  	v17 =	vxor.u32 $0x8, v13;
	s10 =	sor.u32 s25, s23;
	s9 =	sor.u32 s26, s23;
	s23 =	sor.u32 s28, s23;
	v16 =	vld [tilespmem:s12+$0x4100];
	[tilespmem:s5+$0xE100] =	vst v2;
	v2 =	vadd.f32 v4, v7  }
0x49: {  	s31 =	sand.u32 $0xC00, s18;
	p0 =	slt.u32 s17, $0x1C;
	v20 =	vperm.xlane v0, v3;
	v4 =	vperm.xlane v1, v17;
	s5 =	smov.u32 s11;
	v19 =	vld [tilespmem:s23+$0x0];
	[tilespmem:s13+$0xE100] =	vst v11;
	v7 =	vadd.f32 v15, v14  }
0x4a: {  	v22 =	vperm.xlane v0, v10;
	s11 =	sor.u32 s2, s31;
	v15 =	vperm.xlane v1, v3;
	s23 =	smov.u32 s15;
	v14 =	vld [tilespmem:s9+$0x0];
	s9 =	smov.u32 s16  }
0x4b: {  	v5 =	vperm.xlane v0, v5;
	s31 =	sor.u32 s4, s11;
	s16 =	sor.u32 s3, s11;
	v10 =	vmul.f32 v4, v12;
	v3 =	vand.u32 $0xF, v21;
	v11 =	vld [tilespmem:s10+$0x0];
	[tilespmem:s14+$0xE100] =	vst v7;
	s10 =	smov.u32 s1  }
0x4c: {  	v17 =	vperm.xlane v0, v17;
	v12 =	vperm.xlane v1, v13;
	s30 =	sor.u32 s25, s16;
	s13 =	sor.u32 s26, s16;
	s24 =	sor.u32 s28, s16;
	v4 =	vxor.u32 $0x8, v3  }
0x4d: {  	v23 =	vperm.xlane v0, v13;
	v9 =	vadd.f32 v5, v9;
	s11 =	sor.u32 s31, s6;
	s15 =	sor.u32 s31, s25;
	s14 =	sor.u32 s31, s26;
	v7 =	vperm.xlane v1, v4;
	v21 =	vld [tilespmem:s24+$0x4100]  }
0x4e: {  	s16 =	sor.u32 s6, s16;
	s1 =	sor.u32 s31, s28;
	v25 =	vadd.f32 v17, v10;
	v12 =	vmul.f32 v12, v16;
	v24 =	vld [tilespmem:s13+$0x4100];
	v5 =	vand.u32 $0xF, v19  }
.Ltmp0:
0x4f: {  	v8 =	vmul.f32 v6, v8;
	v26 =	vmul.f32 v15, v18;
	v13 =	vld [tilespmem:s11+$0x4100];
	v16 =	vand.u32 $0xF, v14;
	[tilespmem:s7+$0xE100] =	vst v9;
	s7 =	smov.u32 s24;
	(pc) =	sbr.rel @p0 .LBB2_3-.Ltmp0, $4  }
0x50: {  	v6 =	vperm.xlane v1, v5;
	v10 =	vxor.u32 $0x8, v5;
	v17 =	vadd.f32 v23, v12;
	v14 =	vld [tilespmem:s14+$0x4100]  }
0x51: {  	v19 =	vperm.xlane v1, v16;
	v15 =	vperm.xlane v0, v16;
	v16 =	vxor.u32 $0x8, v16;
	v12 =	vld [tilespmem:s15+$0x4100]  }
0x52: {  	v18 =	vadd.f32 v22, v8;
	v9 =	vmul.f32 v6, v21;
	v6 =	vperm.xlane v1, v10;
	[tilespmem:s12+$0xE100] =	vst v17;
	s12 =	smov.u32 s30  }
0x53: {  	s18 =	sadd.s32 $0x200, s18;
	s19 =	sadd.s32 $0x40, s19;
	s22 =	sadd.s32 $0x40, s22;
	v20 =	vadd.f32 v20, v26;
	v17 =	vmul.f32 v19, v24;
	v19 =	vperm.xlane v1, v16;
	v8 =	vld [tilespmem:s1+$0x4100];
	[tilespmem:s23+$0xE100] =	vst v25  }
0x54: {  	v21 =	vld [tilespmem:s12+$0x4100];
	v16 =	vperm.xlane v0, v16  }
0x55: {  	v52 =	vld [tilespmem:s16+$0x4100];
	v53 =	vperm.xlane v1, v3;
	v5 =	vperm.xlane v0, v5  }
0x56: {  	v11 =	vand.u32 $0xF, v11;
	[tilespmem:s10+$0xE100] =	vst v18;
	v57 =	vperm.xlane v0, v10;
	v14 =	vmul.f32 v19, v14  }
0x57: {  	v51 =	vxor.u32 $0x8, v11;
	v23 =	vperm.xlane v1, v11;
	v15 =	vadd.f32 v15, v17;
	[tilespmem:s9+$0xE100] =	vst v20  }
0x58: {  	v11 =	vperm.xlane v0, v11;
	[tilespmem:s5+$0xE100] =	vst v2;
	v5 =	vadd.f32 v5, v9;
	v58 =	vmul.f32 v6, v8  }
0x59: {  	v22 =	vperm.xlane v1, v51;
	v54 =	vadd.f32 v16, v14;
	[tilespmem:s13+$0xE100] =	vst v15;
	v55 =	vmul.f32 v23, v21  }
0x5a: {  	v60 =	vperm.xlane v0, v3;
	s0 =	sadd.s32 $0x1, s0;
	[tilespmem:s7+$0xE100] =	vst v5;
	v1 =	vmul.f32 v53, v52;
	v2 =	vadd.f32 v57, v58  }
0x5b: {  	p0 =	sne.s32 s0, $0x14;
	v56 =	vperm.xlane v0, v51;
	v12 =	vmul.f32 v22, v12;
	[tilespmem:s14+$0xE100] =	vst v54;
	v59 =	vadd.f32 v11, v55  }
.Ltmp1:
0x5c: {  	v62 =	vmul.f32 v7, v13;
	v63 =	vperm.xlane v0, v4;
	v1 =	vadd.f32 v60, v1;
	[tilespmem:s1+$0xE100] =	vst v2;
	(pc) =	sbr.rel @p0 .LBB2_2-.Ltmp1, $4  }
0x5d: {  	v61 =	vadd.f32 v56, v12;
	[tilespmem:s12+$0xE100] =	vst v59  }
0x5e: {  	v0 =	vadd.f32 v63, v62;
	[tilespmem:s16+$0xE100] =	vst v1  }
0x5f: {  	[tilespmem:s15+$0xE100] =	vst v61  }
0x60: {  	[tilespmem:s11+$0xE100] =	vst v0  }
0x61: {  	s0 =	rddreg [dreg:$0xa];
	s1 =	simm.s32 $0x20000;
	s2 =	simm.s32 $0xE100  }
0x62: {  	[hbm4b:s0+s21] =	stream.strided.scatter [tilespmem:s2], [sflag:$0x3], $0x5000, s1, s21, $0x38;
	[tilespmem:$0x18100] =	vst v63  }
0x63: {  	s29 =	rddreg [dreg:$0xb];
	s30 =	simm.s32 $0x4100;
	s31 =	simm.s32 $0x2  }
0x64: {  	[tilespmem:s30], [sflag:$0x1] =	stream.strided.gather [hbm4b:s29+s21], $0x5000, s1, s21, $0x38;
	[tilespmem:$0x18100] =	vst v63  }
0x65: {  	_ =	swait.ge [sflag:s31], $0x5000  }
0x66: {  	[sflag:s31] =	ssyncset.done $0x0  }
0x67: {  	s0 =	simm.s32 $0x0;
	s2 =	simm.s32 $0x0;
	[sflag:s31] =	ssyncadd.s32 $0xFFFFB000  }
.LBB2_6:
0x68: {  	s1 =	sshll.u32 s2, $0x8  }
0x69: {  	s5 =	sshll.u32 s2, $0x4;
	s3 =	sshll.u32 s2, $0xA;
	s9 =	sand.u32 $0x40, s0;
	v2 =	vld [tilespmem:s0+$0x0]  }
0x6a: {  	s10 =	sand.u32 $0x180, s0;
	s7 =	sand.u32 $0xC00, s0;
	s26 =	simm.s32 $0x40;
	v1 =	vld [tilespmem:s5+$0x340]  }
0x6b: {  	s3 =	sand.u32 $0x7000, s3;
	s11 =	sor.u32 $0x30, s9;
	s12 =	sor.u32 $0x20, s9;
	v0 =	vld [tilespmem:s5+$0x22C0]  }
0x6c: {  	s4 =	sand.u32 $0x300, s1;
	v18 =	vld [tilespmem:s26+$0x0];
	s6 =	sor.u32 s11, s10;
	s7 =	sor.u32 s3, s7  }
0x6d: {  	s31 =	sor.u32 s12, s10;
	v3 =	vld [tilespmem:s6+$0x0];
	s14 =	sor.u32 s4, s7  }
0x6e: {  	s5 =	sor.u32 $0x80, s4;
	v4 =	vld [tilespmem:s31+$0x0];
	s8 =	sor.u32 s11, s14  }
0x6f: {  	s15 =	sor.u32 s5, s7;
	s20 =	sor.u32 s12, s14;
	v5 =	vld [tilespmem:s8+$0x9100]  }
0x70: {  	s7 =	sor.u32 s15, s9;
	v6 =	vld [tilespmem:s20+$0x9100];
	v7 =	vand.u32 $0xF, v2  }
0x71: {  	s16 =	sor.u32 $0x10, s9;
	s13 =	sor.u32 s15, s12;
	v2 =	vld [tilespmem:s7+$0x9100];
	v9 =	vxor.u32 $0x8, v7;
	v20 =	vperm.xlane v0, v7  }
0x72: {  	s17 =	sand.u32 $0x40, s26;
	s10 =	sor.u32 s16, s10;
	v12 =	vld [tilespmem:s13+$0x9100];
	v23 =	vperm.xlane v1, v7;
	v11 =	vperm.xlane v1, v9;
	v8 =	vand.u32 $0xF, v3  }
0x73: {  	s29 =	sor.u32 $0x20, s17;
	s25 =	sor.u32 s15, s16;
	s12 =	sand.u32 $0x180, s26;
	v9 =	vperm.xlane v0, v9;
	v3 =	vld [tilespmem:s10+$0x0];
	v4 =	vand.u32 $0xF, v4;
	v10 =	vperm.xlane v1, v8  }
0x74: {  	v15 =	vld [tilespmem:s25+$0x9100];
	s31 =	sor.u32 s29, s12;
	v13 =	vperm.xlane v1, v4;
	v16 =	vperm.xlane v0, v4;
	v4 =	vxor.u32 $0x8, v4  }
0x75: {  	v22 =	vld [tilespmem:s31+$0x0];
	s10 =	sor.u32 s9, s14;
	v14 =	vxor.u32 $0x8, v8;
	v8 =	vperm.xlane v0, v8;
	v17 =	vperm.xlane v1, v4  }
0x76: {  	s22 =	sor.u32 $0x30, s17;
	s11 =	sor.u32 s15, s11;
	v19 =	vld [tilespmem:s10+$0x9100];
	v2 =	vmul.f32 v11, v2;
	v4 =	vperm.xlane v0, v4  }
0x77: {  	s28 =	simm.s32 $0x200;
	s30 =	sor.u32 s22, s12;
	v24 =	vperm.xlane v0, v14;
	v6 =	vmul.f32 v13, v6;
	v13 =	vld [tilespmem:s11+$0x9100]  }
0x78: {  	s19 =	sor.u32 s16, s14;
	s9 =	sand.u32 $0xC00, s28;
	v2 =	vadd.f32 v9, v2;
	v9 =	vld [tilespmem:s30+$0x0];
	v11 =	vand.u32 $0xF, v3;
	v3 =	vmul.f32 v17, v12  }
0x79: {  	s18 =	sor.u32 s3, s9;
	v5 =	vmul.f32 v10, v5;
	v6 =	vadd.f32 v16, v6;
	v12 =	vld [tilespmem:s19+$0x9100];
	v16 =	vxor.u32 $0x8, v11  }
0x7a: {  	s23 =	sor.u32 s4, s18;
	v10 =	vperm.xlane v1, v14;
	v17 =	vperm.xlane v1, v16;
	v21 =	vadd.f32 v4, v3  }
0x7b: {  	s14 =	sor.u32 s29, s23;
	v3 =	vand.u32 $0xF, v18;
	v16 =	vperm.xlane v0, v16;
	v18 =	vperm.xlane v0, v11  }
0x7c: {  	s24 =	sor.u32 $0x10, s17;
	s9 =	sor.u32 s22, s23;
	v25 =	vld [tilespmem:s14+$0x9100];
	v8 =	vadd.f32 v8, v5;
	v14 =	vmul.f32 v17, v15;
	v15 =	vperm.xlane v1, v11  }
0x7d: {  	s12 =	sor.u32 s24, s12;
	s26 =	sor.u32 s5, s18;
	[tilespmem:s20+$0x13100] =	vst v6;
	v6 =	vand.u32 $0xF, v22;
	v22 =	vmul.f32 v23, v19;
	v4 =	vxor.u32 $0x8, v3;
	v17 =	vld [tilespmem:s9+$0x9100]  }
0x7e: {  	v19 =	vmul.f32 v10, v13;
	v5 =	vand.u32 $0xF, v9;
	v11 =	vld [tilespmem:s12+$0x0];
	s12 =	sor.u32 s26, s17;
	v9 =	vmul.f32 v15, v12  }
0x7f: {  	s15 =	sor.u32 s26, s29;
	[tilespmem:s8+$0x13100] =	vst v8;
	v8 =	vperm.xlane v1, v6;
	v7 =	vperm.xlane v1, v4;
	v13 =	vld [tilespmem:s12+$0x9100]  }
0x80: {  	[tilespmem:s13+$0x13100] =	vst v21;
	v21 =	vperm.xlane v1, v5;
	v26 =	vadd.f32 v16, v14;
	v14 =	vld [tilespmem:s15+$0x9100];
	v18 =	vadd.f32 v18, v9  }
0x81: {  	s18 =	simm.s32 $0x4;
	s16 =	sor.u32 s26, s24;
	v10 =	vxor.u32 $0x8, v5;
	v15 =	vperm.xlane v0, v6;
	v16 =	vxor.u32 $0x8, v6  }
0x82: {  	s1 =	sor.u32 s26, s22;
	s22 =	simm.s32 $0x80;
	s13 =	sor.u32 s24, s23;
	v12 =	vld [tilespmem:s16+$0x9100];
	v6 =	vperm.xlane v1, v10;
	v9 =	vmul.f32 v21, v17;
	[tilespmem:s19+$0x13100] =	vst v18;
	v18 =	vadd.f32 v24, v19  }
0x83: {  	s17 =	sor.u32 s17, s23;
	s23 =	simm.s32 $0x80;
	v20 =	vadd.f32 v20, v22;
	v17 =	vmul.f32 v8, v25;
	v8 =	vld [tilespmem:s1+$0x9100];
	v19 =	vperm.xlane v1, v16;
	s19 =	simm.s32 $0x400;
	[tilespmem:s25+$0x13100] =	vst v26  }
.LBB2_7:
0x84: {  	s6 =	sand.u32 $0x40, s23;
	v21 =	vld [tilespmem:s22+$0x0];
	s24 =	sand.u32 $0x180, s23;
	s18 =	sadd.s32 $0x4, s18;
	v7 =	vmul.f32 v7, v13;
	v4 =	vperm.xlane v0, v4;
	v13 =	vand.u32 $0xF, v11;
	[tilespmem:s11+$0x13100] =	vst v18  }
0x85: {  	s26 =	sor.u32 $0x10, s6;
	s28 =	sor.u32 $0x20, s6;
	s30 =	sor.u32 $0x30, s6;
	v18 =	vld [tilespmem:s17+$0x9100];
	v11 =	vadd.f32 v15, v17;
	v14 =	vmul.f32 v19, v14;
	v15 =	vperm.xlane v0, v16;
	[tilespmem:s10+$0x13100] =	vst v20  }
0x86: {  	v17 =	vxor.u32 $0x8, v13;
	s11 =	sor.u32 s26, s24;
	s10 =	sor.u32 s28, s24;
	s24 =	sor.u32 s30, s24;
	v16 =	vld [tilespmem:s13+$0x9100];
	[tilespmem:s7+$0x13100] =	vst v2;
	v2 =	vadd.f32 v4, v7  }
0x87: {  	s25 =	sand.u32 $0xC00, s19;
	p0 =	slt.u32 s18, $0x1C;
	v20 =	vperm.xlane v0, v3;
	v4 =	vperm.xlane v1, v17;
	s7 =	smov.u32 s12;
	v19 =	vld [tilespmem:s24+$0x0];
	[tilespmem:s14+$0x13100] =	vst v11;
	v7 =	vadd.f32 v15, v14  }
0x88: {  	v22 =	vperm.xlane v0, v10;
	s12 =	sor.u32 s3, s25;
	s25 =	smov.u32 s16;
	v15 =	vperm.xlane v1, v3;
	v14 =	vld [tilespmem:s10+$0x0];
	s10 =	smov.u32 s17  }
0x89: {  	v5 =	vperm.xlane v0, v5;
	s24 =	sor.u32 s5, s12;
	s17 =	sor.u32 s4, s12;
	v10 =	vmul.f32 v4, v12;
	v3 =	vand.u32 $0xF, v21;
	v11 =	vld [tilespmem:s11+$0x0];
	[tilespmem:s15+$0x13100] =	vst v7;
	s11 =	smov.u32 s1  }
0x8a: {  	v17 =	vperm.xlane v0, v17;
	v12 =	vperm.xlane v1, v13;
	s31 =	sor.u32 s26, s17;
	s14 =	sor.u32 s28, s17;
	s29 =	sor.u32 s30, s17;
	v4 =	vxor.u32 $0x8, v3  }
0x8b: {  	v23 =	vperm.xlane v0, v13;
	v9 =	vadd.f32 v5, v9;
	s12 =	sor.u32 s24, s6;
	s16 =	sor.u32 s24, s26;
	s15 =	sor.u32 s24, s28;
	v7 =	vperm.xlane v1, v4;
	v21 =	vld [tilespmem:s29+$0x9100]  }
0x8c: {  	s17 =	sor.u32 s6, s17;
	s1 =	sor.u32 s24, s30;
	v25 =	vadd.f32 v17, v10;
	v12 =	vmul.f32 v12, v16;
	v24 =	vld [tilespmem:s14+$0x9100];
	v5 =	vand.u32 $0xF, v19  }
.Ltmp2:
0x8d: {  	v8 =	vmul.f32 v6, v8;
	v26 =	vmul.f32 v15, v18;
	v13 =	vld [tilespmem:s12+$0x9100];
	v16 =	vand.u32 $0xF, v14;
	[tilespmem:s9+$0x13100] =	vst v9;
	s9 =	smov.u32 s29;
	(pc) =	sbr.rel @p0 .LBB2_7-.Ltmp2, $4  }
0x8e: {  	v6 =	vperm.xlane v1, v5;
	v10 =	vxor.u32 $0x8, v5;
	v17 =	vadd.f32 v23, v12;
	v14 =	vld [tilespmem:s15+$0x9100]  }
0x8f: {  	v19 =	vperm.xlane v1, v16;
	v15 =	vperm.xlane v0, v16;
	v16 =	vxor.u32 $0x8, v16;
	v12 =	vld [tilespmem:s16+$0x9100]  }
0x90: {  	v18 =	vadd.f32 v22, v8;
	v9 =	vmul.f32 v6, v21;
	v6 =	vperm.xlane v1, v10;
	[tilespmem:s13+$0x13100] =	vst v17;
	s13 =	smov.u32 s31  }
0x91: {  	s19 =	sadd.s32 $0x200, s19;
	s23 =	sadd.s32 $0x40, s23;
	s22 =	sadd.s32 $0x40, s22;
	v20 =	vadd.f32 v20, v26;
	v17 =	vmul.f32 v19, v24;
	v19 =	vperm.xlane v1, v16;
	v8 =	vld [tilespmem:s1+$0x9100];
	[tilespmem:s25+$0x13100] =	vst v25  }
0x92: {  	v21 =	vld [tilespmem:s13+$0x9100];
	v16 =	vperm.xlane v0, v16  }
0x93: {  	v52 =	vld [tilespmem:s17+$0x9100];
	v53 =	vperm.xlane v1, v3;
	v5 =	vperm.xlane v0, v5  }
0x94: {  	v11 =	vand.u32 $0xF, v11;
	[tilespmem:s11+$0x13100] =	vst v18;
	v57 =	vperm.xlane v0, v10;
	v14 =	vmul.f32 v19, v14  }
0x95: {  	v51 =	vxor.u32 $0x8, v11;
	v23 =	vperm.xlane v1, v11;
	v15 =	vadd.f32 v15, v17;
	[tilespmem:s10+$0x13100] =	vst v20  }
0x96: {  	v11 =	vperm.xlane v0, v11;
	[tilespmem:s7+$0x13100] =	vst v2;
	v5 =	vadd.f32 v5, v9;
	v58 =	vmul.f32 v6, v8  }
0x97: {  	v22 =	vperm.xlane v1, v51;
	v54 =	vadd.f32 v16, v14;
	[tilespmem:s14+$0x13100] =	vst v15;
	v55 =	vmul.f32 v23, v21  }
0x98: {  	v60 =	vperm.xlane v0, v3;
	s2 =	sadd.s32 $0x1, s2;
	[tilespmem:s9+$0x13100] =	vst v5;
	v1 =	vmul.f32 v53, v52;
	v2 =	vadd.f32 v57, v58  }
0x99: {  	p0 =	sne.s32 s2, $0x14;
	v56 =	vperm.xlane v0, v51;
	v12 =	vmul.f32 v22, v12;
	[tilespmem:s15+$0x13100] =	vst v54;
	v59 =	vadd.f32 v11, v55  }
.Ltmp3:
0x9a: {  	v62 =	vmul.f32 v7, v13;
	v63 =	vperm.xlane v0, v4;
	v1 =	vadd.f32 v60, v1;
	[tilespmem:s1+$0x13100] =	vst v2;
	(pc) =	sbr.rel @p0 .LBB2_6-.Ltmp3, $4  }
0x9b: {  	v61 =	vadd.f32 v56, v12;
	[tilespmem:s13+$0x13100] =	vst v59  }
0x9c: {  	v0 =	vadd.f32 v63, v62;
	[tilespmem:s17+$0x13100] =	vst v1  }
0x9d: {  	[tilespmem:s16+$0x13100] =	vst v61  }
0x9e: {  	[tilespmem:s12+$0x13100] =	vst v0  }
0x9f: {  	s0 =	rddreg [dreg:$0xc];
	s1 =	simm.s32 $0x20000;
	s2 =	simm.s32 $0x13100  }
0xa0: {  	[hbm4b:s0+s21] =	stream.strided.scatter [tilespmem:s2], [sflag:$0x4], $0x5000, s1, s21, $0x38;
	[tilespmem:$0x18100] =	vst v63  }
0xa1: {  	s30 =	rddreg [dreg:$0xd];
	s31 =	simm.s32 $0x9100;
	s0 =	simm.s32 $0x0  }
0xa2: {  	[tilespmem:s31], [sflag:$0x2] =	stream.strided.gather [hbm4b:s30+s21], $0x5000, s1, s21, $0x38;
	[tilespmem:$0x18100] =	vst v63  }
.LBB2_10:
0xa3: {  	s1 =	simm.s32 $0x1  }
0xa4: {  	_ =	swait.ge [sflag:s1], $0x5000  }
0xa5: {  	s2 =	smul.u32 $0x50, s0;
	[sflag:s1] =	ssyncset.done $0x0  }
0xa6: {  	s3 =	simm.s32 $0x3;
	[sflag:s1] =	ssyncadd.s32 $0xFFFFB000  }
0xa7: {  	s18 =	sadd.s32 $0x50, s2;
	_ =	swait.ge [sflag:s3], $0x5000  }
0xa8: {  	s31 =	sshll.u32 s18, $0x3;
	[sflag:s3] =	ssyncset.done $0x0  }
0xa9: {  	s19 =	simm.s32 $0x0;
	v0 =	vmov s31;
	[sflag:s3] =	ssyncadd.s32 $0xFFFFB000  }
.LBB2_11:
0xaa: {  	_ =	sdelay $0x1  }
0xab: {  	s1 =	sshll.u32 s19, $0xA  }
0xac: {  	s4 =	simm.s32 $0x0;
	s5 =	sshll.u32 s19, $0x4;
	s29 =	sshll.u32 s19, $0x8  }
0xad: {  	s3 =	sand.u32 $0x7000, s1;
	s9 =	sand.u32 $0x40, s4;
	v2 =	vld.idx.msk [tilespmem:v0+s5+$0x200 ss:$0x1], $0xffff;
	s10 =	sand.u32 $0x180, s4  }
0xae: {  	v3 =	vld [tilespmem:s4+$0x0];
	s7 =	sand.u32 $0xC00, s4;
	s4 =	sand.u32 $0x300, s29;
	s11 =	sor.u32 $0x30, s9  }
0xaf: {  	v1 =	vld.idx.msk [tilespmem:v0+s5+$0x2180 ss:$0x1], $0xffff;
	s12 =	sor.u32 $0x20, s9;
	s7 =	sor.u32 s3, s7;
	s6 =	sor.u32 s11, s10  }
0xb0: {  	s30 =	sor.u32 s12, s10;
	s14 =	sor.u32 s4, s7;
	v4 =	vld [tilespmem:s6+$0x0]  }
0xb1: {  	s5 =	sor.u32 $0x80, s4;
	v5 =	vld [tilespmem:s30+$0x0];
	s1 =	sor.u32 s11, s14  }
0xb2: {  	s15 =	sor.u32 s5, s7;
	s8 =	sor.u32 s12, s14;
	v6 =	vld [tilespmem:s1+$0x4100]  }
0xb3: {  	s13 =	sor.u32 s15, s12;
	v7 =	vld [tilespmem:s8+$0x4100]  }
0xb4: {  	s16 =	sor.u32 $0x10, s9;
	s7 =	sor.u32 s15, s9;
	v13 =	vld [tilespmem:s13+$0x4100];
	v8 =	vand.u32 $0xF, v3  }
0xb5: {  	s25 =	sor.u32 s15, s16;
	s11 =	sor.u32 s15, s11;
	s15 =	simm.s32 $0x40;
	v3 =	vld [tilespmem:s7+$0x4100];
	v10 =	vxor.u32 $0x8, v8;
	v21 =	vperm.xlane v1, v8  }
0xb6: {  	s10 =	sor.u32 s16, s10;
	v16 =	vld [tilespmem:s25+$0x4100];
	s17 =	sand.u32 $0x40, s15;
	v24 =	vperm.xlane v2, v8;
	v12 =	vperm.xlane v2, v10;
	v9 =	vand.u32 $0xF, v4  }
0xb7: {  	s12 =	sand.u32 $0x180, s15;
	s20 =	sor.u32 $0x20, s17;
	v10 =	vperm.xlane v1, v10;
	v4 =	vld [tilespmem:s10+$0x0];
	v5 =	vand.u32 $0xF, v5;
	v11 =	vperm.xlane v2, v9  }
0xb8: {  	v19 =	vld [tilespmem:s15+$0x0];
	s30 =	sor.u32 s20, s12;
	v14 =	vperm.xlane v2, v5;
	v17 =	vperm.xlane v1, v5;
	v5 =	vxor.u32 $0x8, v5  }
0xb9: {  	v23 =	vld [tilespmem:s30+$0x0];
	s10 =	sor.u32 s9, s14;
	v15 =	vxor.u32 $0x8, v9;
	v9 =	vperm.xlane v1, v9;
	v18 =	vperm.xlane v2, v5  }
0xba: {  	s23 =	sor.u32 $0x30, s17;
	v20 =	vld [tilespmem:s10+$0x4100];
	v3 =	vmul.f32 v12, v3;
	v5 =	vperm.xlane v1, v5  }
0xbb: {  	s22 =	sor.u32 s16, s14;
	s16 =	simm.s32 $0x200;
	s29 =	sor.u32 s23, s12;
	v25 =	vperm.xlane v1, v15;
	v7 =	vmul.f32 v14, v7;
	v14 =	vld [tilespmem:s11+$0x4100]  }
0xbc: {  	s9 =	sand.u32 $0xC00, s16;
	v3 =	vadd.f32 v10, v3;
	v10 =	vld [tilespmem:s29+$0x0];
	v12 =	vand.u32 $0xF, v4;
	v4 =	vmul.f32 v18, v13  }
0xbd: {  	s24 =	sor.u32 s3, s9;
	v6 =	vmul.f32 v11, v6;
	v7 =	vadd.f32 v17, v7;
	v13 =	vld [tilespmem:s22+$0x4100];
	v17 =	vxor.u32 $0x8, v12  }
0xbe: {  	s26 =	sor.u32 s4, s24;
	v11 =	vperm.xlane v2, v15;
	v18 =	vperm.xlane v2, v17;
	v22 =	vadd.f32 v5, v4  }
0xbf: {  	s14 =	sor.u32 s20, s26;
	v4 =	vand.u32 $0xF, v19;
	v17 =	vperm.xlane v1, v17;
	v19 =	vperm.xlane v1, v12  }
0xc0: {  	s28 =	sor.u32 $0x10, s17;
	s9 =	sor.u32 s23, s26;
	v26 =	vld [tilespmem:s14+$0x4100];
	v9 =	vadd.f32 v9, v6;
	v15 =	vmul.f32 v18, v16;
	v16 =	vperm.xlane v2, v12  }
0xc1: {  	s12 =	sor.u32 s28, s12;
	s24 =	sor.u32 s5, s24;
	[tilespmem:s8+$0xE100] =	vst v7;
	v7 =	vand.u32 $0xF, v23;
	v23 =	vmul.f32 v24, v20;
	v5 =	vxor.u32 $0x8, v4;
	v18 =	vld [tilespmem:s9+$0x4100]  }
0xc2: {  	v20 =	vmul.f32 v11, v14;
	v6 =	vand.u32 $0xF, v10;
	v12 =	vld [tilespmem:s12+$0x0];
	s12 =	sor.u32 s24, s17;
	v10 =	vmul.f32 v16, v13  }
0xc3: {  	s15 =	sor.u32 s24, s20;
	[tilespmem:s1+$0xE100] =	vst v9;
	v9 =	vperm.xlane v2, v7;
	v8 =	vperm.xlane v2, v5;
	v14 =	vld [tilespmem:s12+$0x4100]  }
0xc4: {  	[tilespmem:s13+$0xE100] =	vst v22;
	v22 =	vperm.xlane v2, v6;
	v27 =	vadd.f32 v17, v15;
	v15 =	vld [tilespmem:s15+$0x4100];
	v19 =	vadd.f32 v19, v10  }
0xc5: {  	s31 =	simm.s32 $0x4;
	s16 =	sor.u32 s24, s28;
	v11 =	vxor.u32 $0x8, v6;
	v16 =	vperm.xlane v1, v7;
	v17 =	vxor.u32 $0x8, v7  }
0xc6: {  	s1 =	sor.u32 s24, s23;
	s23 =	simm.s32 $0x400;
	s13 =	sor.u32 s28, s26;
	v13 =	vld [tilespmem:s16+$0x4100];
	v7 =	vperm.xlane v2, v11;
	v10 =	vmul.f32 v22, v18;
	[tilespmem:s22+$0xE100] =	vst v19;
	v19 =	vadd.f32 v25, v20  }
0xc7: {  	s17 =	sor.u32 s17, s26;
	s28 =	simm.s32 $0x80;
	v21 =	vadd.f32 v21, v23;
	v18 =	vmul.f32 v9, v26;
	v9 =	vld [tilespmem:s1+$0x4100];
	v20 =	vperm.xlane v2, v17;
	s22 =	simm.s32 $0x80;
	[tilespmem:s25+$0xE100] =	vst v27  }
.LBB2_12:
0xc8: {  	s6 =	sand.u32 $0x40, s28;
	v22 =	vld [tilespmem:s22+$0x0];
	s24 =	sand.u32 $0x180, s28;
	s31 =	sadd.s32 $0x4, s31;
	v8 =	vmul.f32 v8, v14;
	v5 =	vperm.xlane v1, v5;
	v14 =	vand.u32 $0xF, v12;
	[tilespmem:s11+$0xE100] =	vst v19  }
0xc9: {  	s26 =	sor.u32 $0x10, s6;
	s29 =	sor.u32 $0x20, s6;
	s30 =	sor.u32 $0x30, s6;
	v19 =	vld [tilespmem:s17+$0x4100];
	v12 =	vadd.f32 v16, v18;
	v15 =	vmul.f32 v20, v15;
	v16 =	vperm.xlane v1, v17;
	[tilespmem:s10+$0xE100] =	vst v21  }
0xca: {  	v18 =	vxor.u32 $0x8, v14;
	s11 =	sor.u32 s26, s24;
	s10 =	sor.u32 s29, s24;
	s24 =	sor.u32 s30, s24;
	v17 =	vld [tilespmem:s13+$0x4100];
	[tilespmem:s7+$0xE100] =	vst v3;
	v3 =	vadd.f32 v5, v8  }
0xcb: {  	s25 =	sand.u32 $0xC00, s23;
	p0 =	slt.u32 s31, $0x1C;
	v21 =	vperm.xlane v1, v4;
	v5 =	vperm.xlane v2, v18;
	s7 =	smov.u32 s12;
	v20 =	vld [tilespmem:s24+$0x0];
	[tilespmem:s14+$0xE100] =	vst v12;
	v8 =	vadd.f32 v16, v15  }
0xcc: {  	v23 =	vperm.xlane v1, v11;
	s12 =	sor.u32 s3, s25;
	s25 =	smov.u32 s16;
	v16 =	vperm.xlane v2, v4;
	v15 =	vld [tilespmem:s10+$0x0];
	s10 =	smov.u32 s17  }
0xcd: {  	v6 =	vperm.xlane v1, v6;
	s24 =	sor.u32 s5, s12;
	s17 =	sor.u32 s4, s12;
	v11 =	vmul.f32 v5, v13;
	v4 =	vand.u32 $0xF, v22;
	v12 =	vld [tilespmem:s11+$0x0];
	[tilespmem:s15+$0xE100] =	vst v8;
	s11 =	smov.u32 s1  }
0xce: {  	v18 =	vperm.xlane v1, v18;
	v13 =	vperm.xlane v2, v14;
	s8 =	sor.u32 s26, s17;
	s14 =	sor.u32 s29, s17;
	s20 =	sor.u32 s30, s17;
	v5 =	vxor.u32 $0x8, v4  }
0xcf: {  	v24 =	vperm.xlane v1, v14;
	v10 =	vadd.f32 v6, v10;
	s12 =	sor.u32 s24, s6;
	s16 =	sor.u32 s24, s26;
	s15 =	sor.u32 s24, s29;
	v8 =	vperm.xlane v2, v5;
	v22 =	vld [tilespmem:s20+$0x4100]  }
0xd0: {  	s17 =	sor.u32 s6, s17;
	s1 =	sor.u32 s24, s30;
	v26 =	vadd.f32 v18, v11;
	v13 =	vmul.f32 v13, v17;
	v25 =	vld [tilespmem:s14+$0x4100];
	v6 =	vand.u32 $0xF, v20  }
.Ltmp4:
0xd1: {  	v9 =	vmul.f32 v7, v9;
	v27 =	vmul.f32 v16, v19;
	v14 =	vld [tilespmem:s12+$0x4100];
	v17 =	vand.u32 $0xF, v15;
	[tilespmem:s9+$0xE100] =	vst v10;
	s9 =	smov.u32 s20;
	(pc) =	sbr.rel @p0 .LBB2_12-.Ltmp4, $4  }
0xd2: {  	v7 =	vperm.xlane v2, v6;
	v11 =	vxor.u32 $0x8, v6;
	v18 =	vadd.f32 v24, v13;
	v15 =	vld [tilespmem:s15+$0x4100]  }
0xd3: {  	v20 =	vperm.xlane v2, v17;
	v16 =	vperm.xlane v1, v17;
	v17 =	vxor.u32 $0x8, v17;
	v13 =	vld [tilespmem:s16+$0x4100]  }
0xd4: {  	v19 =	vadd.f32 v23, v9;
	v10 =	vmul.f32 v7, v22;
	v7 =	vperm.xlane v2, v11;
	[tilespmem:s13+$0xE100] =	vst v18;
	s13 =	smov.u32 s8  }
0xd5: {  	s23 =	sadd.s32 $0x200, s23;
	s28 =	sadd.s32 $0x40, s28;
	s22 =	sadd.s32 $0x40, s22;
	v21 =	vadd.f32 v21, v27;
	v18 =	vmul.f32 v20, v25;
	v20 =	vperm.xlane v2, v17;
	v9 =	vld [tilespmem:s1+$0x4100];
	[tilespmem:s25+$0xE100] =	vst v26  }
0xd6: {  	v22 =	vld [tilespmem:s13+$0x4100]  }
0xd7: {  	v17 =	vperm.xlane v1, v17  }
0xd8: {  	v12 =	vand.u32 $0xF, v12;
	v56 =	vld [tilespmem:s17+$0x4100];
	v6 =	vperm.xlane v1, v6;
	v15 =	vmul.f32 v20, v15  }
0xd9: {  	v55 =	vxor.u32 $0x8, v12;
	v24 =	vperm.xlane v2, v12;
	v16 =	vadd.f32 v16, v18;
	[tilespmem:s10+$0xE100] =	vst v21  }
0xda: {  	v12 =	vperm.xlane v1, v12;
	v23 =	vperm.xlane v2, v55;
	[tilespmem:s7+$0xE100] =	vst v3;
	v3 =	vadd.f32 v17, v15  }
0xdb: {  	v2 =	vperm.xlane v2, v4;
	[tilespmem:s14+$0xE100] =	vst v16;
	v57 =	vmul.f32 v24, v22  }
0xdc: {  	v59 =	vperm.xlane v1, v11;
	v6 =	vadd.f32 v6, v10;
	[tilespmem:s15+$0xE100] =	vst v3;
	v3 =	vmul.f32 v7, v9  }
0xdd: {  	[tilespmem:s11+$0xE100] =	vst v19;
	v61 =	vperm.xlane v1, v4;
	s19 =	sadd.s32 $0x1, s19;
	v2 =	vmul.f32 v2, v56;
	v60 =	vadd.f32 v12, v57  }
0xde: {  	p0 =	sne.s32 s19, $0x14;
	v58 =	vperm.xlane v1, v55;
	v13 =	vmul.f32 v23, v13;
	[tilespmem:s9+$0xE100] =	vst v6;
	v3 =	vadd.f32 v59, v3  }
.Ltmp5:
0xdf: {  	v63 =	vmul.f32 v8, v14;
	v1 =	vperm.xlane v1, v5;
	v2 =	vadd.f32 v61, v2;
	[tilespmem:s13+$0xE100] =	vst v60;
	(pc) =	sbr.rel @p0 .LBB2_11-.Ltmp5, $4  }
0xe0: {  	v62 =	vadd.f32 v58, v13;
	[tilespmem:s1+$0xE100] =	vst v3  }
0xe1: {  	v1 =	vadd.f32 v1, v63;
	[tilespmem:s17+$0xE100] =	vst v2  }
0xe2: {  	[tilespmem:s16+$0xE100] =	vst v62  }
0xe3: {  	[tilespmem:s12+$0xE100] =	vst v1  }
0xe4: {  	s1 =	sshll.u32 s18, $0xB;
	s3 =	rddreg [dreg:$0xa];
	s24 =	smul.u32 $0x140000, s0  }
0xe5: {  	s4 =	simm.s32 $0x20000;
	s5 =	simm.s32 $0xE100;
	s1 =	sadd.s32 s1, s3  }
0xe6: {  	[hbm4b:s1+s21] =	stream.strided.scatter [tilespmem:s5], [sflag:$0x3], $0x5000, s4, s21, $0x38;
	[tilespmem:$0x18100] =	vst v63  }
0xe7: {  	s26 =	rddreg [dreg:$0x8];
	s25 =	sshrl.u32 s24, $0x3  }
0xe8: {  	s28 =	simm.s32 $0x4100;
	s1 =	sadd.s32 s26, s25  }
0xe9: {  	s29 =	simm.s32 $0x2;
	[dreg:$0x14] =	wrdreg s1;
	s1 =	sadd.s32 $0x50000, s1  }
0xea: {  	[tilespmem:s28], [sflag:$0x1] =	stream.strided.gather [hbm4b:s1+s21], $0x5000, s4, s21, $0x38;
	[tilespmem:$0x18100] =	vst v63  }
0xeb: {  	_ =	swait.ge [sflag:s29], $0x5000  }
0xec: {  	[sflag:s29] =	ssyncset.done $0x0  }
0xed: {  	s30 =	simm.s32 $0x4;
	[sflag:s29] =	ssyncadd.s32 $0xFFFFB000  }
0xee: {  	s2 =	sadd.s32 $0x78, s2;
	_ =	swait.ge [sflag:s30], $0x5000  }
0xef: {  	s31 =	sshll.u32 s2, $0x3;
	[sflag:s30] =	ssyncset.done $0x0  }
0xf0: {  	s19 =	simm.s32 $0x0;
	s3 =	simm.s32 $0x0;
	v0 =	vmov s31;
	[sflag:s30] =	ssyncadd.s32 $0xFFFFB000  }
.LBB2_15:
0xf1: {  	_ =	sdelay $0x1  }
0xf2: {  	s1 =	sshll.u32 s3, $0xA  }
0xf3: {  	s6 =	sshll.u32 s3, $0x4;
	s8 =	sand.u32 $0x40, s19;
	s15 =	sshll.u32 s3, $0x8;
	v3 =	vld [tilespmem:s19+$0x0]  }
0xf4: {  	s10 =	sand.u32 $0x180, s19;
	s9 =	sand.u32 $0xC00, s19;
	s18 =	simm.s32 $0x40;
	v2 =	vld.idx.msk [tilespmem:v0+s6+$0x200 ss:$0x1], $0xffff  }
0xf5: {  	s4 =	sand.u32 $0x7000, s1;
	s11 =	sor.u32 $0x30, s8;
	s12 =	sor.u32 $0x20, s8;
	v1 =	vld.idx.msk [tilespmem:v0+s6+$0x2180 ss:$0x1], $0xffff  }
0xf6: {  	s5 =	sand.u32 $0x300, s15;
	v19 =	vld [tilespmem:s18+$0x0];
	s7 =	sor.u32 s11, s10;
	s9 =	sor.u32 s4, s9  }
0xf7: {  	s16 =	sor.u32 s12, s10;
	v4 =	vld [tilespmem:s7+$0x0];
	s13 =	sor.u32 s5, s9  }
0xf8: {  	v5 =	vld [tilespmem:s16+$0x0];
	s7 =	sor.u32 $0x80, s5;
	s14 =	sor.u32 s11, s13  }
0xf9: {  	s15 =	sor.u32 s7, s9;
	s1 =	sor.u32 s12, s13;
	v6 =	vld [tilespmem:s14+$0x9100]  }
0xfa: {  	s9 =	sor.u32 s15, s8;
	v7 =	vld [tilespmem:s1+$0x9100];
	v8 =	vand.u32 $0xF, v3  }
0xfb: {  	s20 =	sor.u32 $0x10, s8;
	s16 =	sor.u32 s15, s12;
	v3 =	vld [tilespmem:s9+$0x9100];
	v10 =	vxor.u32 $0x8, v8;
	v21 =	vperm.xlane v1, v8  }
0xfc: {  	s17 =	sor.u32 s20, s10;
	v13 =	vld [tilespmem:s16+$0x9100];
	v24 =	vperm.xlane v2, v8;
	v12 =	vperm.xlane v2, v10;
	v9 =	vand.u32 $0xF, v4  }
0xfd: {  	s6 =	sor.u32 s15, s20;
	v10 =	vperm.xlane v1, v10;
	v4 =	vld [tilespmem:s17+$0x0];
	v5 =	vand.u32 $0xF, v5;
	v11 =	vperm.xlane v2, v9  }
0xfe: {  	s12 =	sor.u32 s15, s11;
	s11 =	sor.u32 s8, s13;
	v16 =	vld [tilespmem:s6+$0x9100];
	s17 =	sand.u32 $0x40, s18;
	v14 =	vperm.xlane v2, v5;
	v17 =	vperm.xlane v1, v5;
	v5 =	vxor.u32 $0x8, v5  }
0xff: {  	s22 =	sor.u32 s20, s13;
	s20 =	sand.u32 $0x180, s18;
	v20 =	vld [tilespmem:s11+$0x9100];
	v15 =	vxor.u32 $0x8, v9;
	s23 =	sor.u32 $0x20, s17;
	v9 =	vperm.xlane v1, v9;
	v18 =	vperm.xlane v2, v5  }
0x100: {  	v5 =	vperm.xlane v1, v5;
	s29 =	sor.u32 s23, s20;
	v7 =	vmul.f32 v14, v7;
	v14 =	vld [tilespmem:s12+$0x9100]  }
0x101: {  	s25 =	simm.s32 $0x200;
	s21 =	sor.u32 $0x30, s17;
	v25 =	vperm.xlane v1, v15;
	v3 =	vmul.f32 v12, v3;
	v23 =	vld [tilespmem:s29+$0x0]  }
0x102: {  	s10 =	sand.u32 $0xC00, s25;
	s26 =	sor.u32 s21, s20;
	v6 =	vmul.f32 v11, v6;
	v12 =	vand.u32 $0xF, v4;
	v4 =	vmul.f32 v18, v13;
	v13 =	vld [tilespmem:s22+$0x9100]  }
0x103: {  	s30 =	sor.u32 s4, s10;
	v7 =	vadd.f32 v17, v7;
	v3 =	vadd.f32 v10, v3;
	v10 =	vld [tilespmem:s26+$0x0];
	v17 =	vxor.u32 $0x8, v12  }
0x104: {  	s24 =	sor.u32 s5, s30;
	v11 =	vperm.xlane v2, v15;
	v18 =	vperm.xlane v2, v17;
	v22 =	vadd.f32 v5, v4  }
0x105: {  	s15 =	sor.u32 s23, s24;
	v4 =	vand.u32 $0xF, v19;
	v17 =	vperm.xlane v1, v17;
	v19 =	vperm.xlane v1, v12  }
0x106: {  	s10 =	sor.u32 s21, s24;
	v26 =	vld [tilespmem:s15+$0x9100];
	v9 =	vadd.f32 v9, v6;
	s26 =	sor.u32 s7, s30;
	v15 =	vmul.f32 v18, v16;
	v16 =	vperm.xlane v2, v12  }
0x107: {  	s25 =	sor.u32 $0x10, s17;
	s13 =	sor.u32 s26, s17;
	[tilespmem:s1+$0x13100] =	vst v7;
	v5 =	vxor.u32 $0x8, v4;
	v7 =	vand.u32 $0xF, v23;
	v23 =	vmul.f32 v24, v20;
	v18 =	vld [tilespmem:s10+$0x9100]  }
0x108: {  	s8 =	sor.u32 s25, s20;
	[tilespmem:s14+$0x13100] =	vst v9;
	v20 =	vmul.f32 v11, v14;
	v14 =	vld [tilespmem:s13+$0x9100];
	v6 =	vand.u32 $0xF, v10;
	v10 =	vmul.f32 v16, v13  }
0x109: {  	v8 =	vperm.xlane v2, v5;
	v12 =	vld [tilespmem:s8+$0x0];
	[tilespmem:s16+$0x13100] =	vst v22;
	s16 =	sor.u32 s26, s23;
	v9 =	vperm.xlane v2, v7  }
0x10a: {  	v27 =	vadd.f32 v17, v15;
	v22 =	vperm.xlane v2, v6;
	v15 =	vld [tilespmem:s16+$0x9100];
	v19 =	vadd.f32 v19, v10  }
0x10b: {  	s28 =	simm.s32 $0x400;
	s1 =	sor.u32 s26, s25;
	v11 =	vxor.u32 $0x8, v6;
	v16 =	vperm.xlane v1, v7;
	v17 =	vxor.u32 $0x8, v7  }
0x10c: {  	s31 =	sor.u32 s17, s24;
	s17 =	sor.u32 s26, s21;
	s14 =	sor.u32 s25, s24;
	v13 =	vld [tilespmem:s1+$0x9100];
	v7 =	vperm.xlane v2, v11;
	v10 =	vmul.f32 v22, v18;
	[tilespmem:s22+$0x13100] =	vst v19;
	v19 =	vadd.f32 v25, v20  }
0x10d: {  	s25 =	simm.s32 $0x80;
	s23 =	simm.s32 $0x4;
	v21 =	vadd.f32 v21, v23;
	v18 =	vmul.f32 v9, v26;
	v9 =	vld [tilespmem:s17+$0x9100];
	v20 =	vperm.xlane v2, v17;
	s22 =	simm.s32 $0x80;
	[tilespmem:s6+$0x13100] =	vst v27  }
.LBB2_16:
0x10e: {  	s6 =	sand.u32 $0x40, s22;
	v22 =	vld [tilespmem:s25+$0x0];
	s8 =	sand.u32 $0x180, s22;
	s23 =	sadd.s32 $0x4, s23;
	v8 =	vmul.f32 v8, v14;
	v5 =	vperm.xlane v1, v5;
	v14 =	vand.u32 $0xF, v12;
	[tilespmem:s12+$0x13100] =	vst v19  }
0x10f: {  	s20 =	sor.u32 $0x10, s6;
	s24 =	sor.u32 $0x20, s6;
	s29 =	sor.u32 $0x30, s6;
	v19 =	vld [tilespmem:s31+$0x9100];
	v12 =	vadd.f32 v16, v18;
	v15 =	vmul.f32 v20, v15;
	v16 =	vperm.xlane v1, v17;
	[tilespmem:s11+$0x13100] =	vst v21  }
0x110: {  	v18 =	vxor.u32 $0x8, v14;
	s12 =	sor.u32 s20, s8;
	s11 =	sor.u32 s24, s8;
	s8 =	sor.u32 s29, s8;
	v17 =	vld [tilespmem:s14+$0x9100];
	[tilespmem:s9+$0x13100] =	vst v3;
	v3 =	vadd.f32 v5, v8  }
0x111: {  	s26 =	sand.u32 $0xC00, s28;
	p0 =	slt.u32 s23, $0x1C;
	v21 =	vperm.xlane v1, v4;
	v5 =	vperm.xlane v2, v18;
	s9 =	smov.u32 s13;
	v20 =	vld [tilespmem:s8+$0x0];
	[tilespmem:s15+$0x13100] =	vst v12;
	v8 =	vadd.f32 v16, v15  }
0x112: {  	v23 =	vperm.xlane v1, v11;
	s8 =	sor.u32 s4, s26;
	v16 =	vperm.xlane v2, v4;
	s26 =	smov.u32 s1;
	v15 =	vld [tilespmem:s11+$0x0];
	s11 =	smov.u32 s31  }
0x113: {  	v6 =	vperm.xlane v1, v6;
	s30 =	sor.u32 s5, s8;
	s8 =	sor.u32 s7, s8;
	v11 =	vmul.f32 v5, v13;
	v4 =	vand.u32 $0xF, v22;
	v12 =	vld [tilespmem:s12+$0x0];
	[tilespmem:s16+$0x13100] =	vst v8;
	s12 =	smov.u32 s17  }
0x114: {  	v18 =	vperm.xlane v1, v18;
	v13 =	vperm.xlane v2, v14;
	s21 =	sor.u32 s20, s30;
	s15 =	sor.u32 s24, s30;
	s18 =	sor.u32 s29, s30;
	v5 =	vxor.u32 $0x8, v4  }
0x115: {  	v24 =	vperm.xlane v1, v14;
	v10 =	vadd.f32 v6, v10;
	s13 =	sor.u32 s8, s6;
	s1 =	sor.u32 s8, s20;
	s16 =	sor.u32 s8, s24;
	v8 =	vperm.xlane v2, v5;
	v22 =	vld [tilespmem:s18+$0x9100]  }
0x116: {  	s31 =	sor.u32 s6, s30;
	s17 =	sor.u32 s8, s29;
	v26 =	vadd.f32 v18, v11;
	v13 =	vmul.f32 v13, v17;
	v25 =	vld [tilespmem:s15+$0x9100];
	v6 =	vand.u32 $0xF, v20  }
.Ltmp6:
0x117: {  	v9 =	vmul.f32 v7, v9;
	v27 =	vmul.f32 v16, v19;
	v14 =	vld [tilespmem:s13+$0x9100];
	v17 =	vand.u32 $0xF, v15;
	[tilespmem:s10+$0x13100] =	vst v10;
	s10 =	smov.u32 s18;
	(pc) =	sbr.rel @p0 .LBB2_16-.Ltmp6, $4  }
0x118: {  	v7 =	vperm.xlane v2, v6;
	v11 =	vxor.u32 $0x8, v6;
	v18 =	vadd.f32 v24, v13;
	v15 =	vld [tilespmem:s16+$0x9100]  }
0x119: {  	v20 =	vperm.xlane v2, v17;
	v16 =	vperm.xlane v1, v17;
	v17 =	vxor.u32 $0x8, v17;
	v13 =	vld [tilespmem:s1+$0x9100]  }
0x11a: {  	v19 =	vadd.f32 v23, v9;
	v10 =	vmul.f32 v7, v22;
	v7 =	vperm.xlane v2, v11;
	[tilespmem:s14+$0x13100] =	vst v18;
	s14 =	smov.u32 s21  }
0x11b: {  	s28 =	sadd.s32 $0x200, s28;
	s22 =	sadd.s32 $0x40, s22;
	s25 =	sadd.s32 $0x40, s25;
	v21 =	vadd.f32 v21, v27;
	v18 =	vmul.f32 v20, v25;
	v20 =	vperm.xlane v2, v17;
	v9 =	vld [tilespmem:s17+$0x9100];
	[tilespmem:s26+$0x13100] =	vst v26  }
0x11c: {  	v22 =	vld [tilespmem:s14+$0x9100]  }
0x11d: {  	v17 =	vperm.xlane v1, v17  }
0x11e: {  	v12 =	vand.u32 $0xF, v12;
	v56 =	vld [tilespmem:s31+$0x9100];
	v6 =	vperm.xlane v1, v6;
	v15 =	vmul.f32 v20, v15  }
0x11f: {  	v55 =	vxor.u32 $0x8, v12;
	v24 =	vperm.xlane v2, v12;
	v16 =	vadd.f32 v16, v18;
	[tilespmem:s11+$0x13100] =	vst v21  }
0x120: {  	v12 =	vperm.xlane v1, v12;
	v23 =	vperm.xlane v2, v55;
	[tilespmem:s9+$0x13100] =	vst v3;
	v3 =	vadd.f32 v17, v15  }
0x121: {  	v2 =	vperm.xlane v2, v4;
	[tilespmem:s15+$0x13100] =	vst v16;
	v57 =	vmul.f32 v24, v22  }
0x122: {  	v59 =	vperm.xlane v1, v11;
	v6 =	vadd.f32 v6, v10;
	[tilespmem:s16+$0x13100] =	vst v3;
	v3 =	vmul.f32 v7, v9  }
0x123: {  	[tilespmem:s12+$0x13100] =	vst v19;
	v61 =	vperm.xlane v1, v4;
	s3 =	sadd.s32 $0x1, s3;
	v2 =	vmul.f32 v2, v56;
	v60 =	vadd.f32 v12, v57  }
0x124: {  	p0 =	sne.s32 s3, $0x14;
	v58 =	vperm.xlane v1, v55;
	v13 =	vmul.f32 v23, v13;
	[tilespmem:s10+$0x13100] =	vst v6;
	v3 =	vadd.f32 v59, v3  }
.Ltmp7:
0x125: {  	v63 =	vmul.f32 v8, v14;
	v1 =	vperm.xlane v1, v5;
	v2 =	vadd.f32 v61, v2;
	[tilespmem:s14+$0x13100] =	vst v60;
	(pc) =	sbr.rel @p0 .LBB2_15-.Ltmp7, $4  }
0x126: {  	v62 =	vadd.f32 v58, v13;
	[tilespmem:s17+$0x13100] =	vst v3  }
0x127: {  	v1 =	vadd.f32 v1, v63;
	[tilespmem:s31+$0x13100] =	vst v2  }
0x128: {  	[tilespmem:s1+$0x13100] =	vst v62  }
0x129: {  	[tilespmem:s13+$0x13100] =	vst v1  }
0x12a: {  	s0 =	sadd.s32 $0x1, s0  }
0x12b: {  	s1 =	sshll.u32 s2, $0xB;
	s26 =	rddreg [dreg:$0xa];
	p0 =	sne.s32 s0, $0xA  }
.Ltmp8:
0x12c: {  	s21 =	simm.s32 $0x1000;
	s30 =	simm.s32 $0x20000;
	(pc) =	sbr.rel @p0 .LBB2_10-.Ltmp8, $4  }
0x12d: {  	s28 =	simm.s32 $0x13100;
	s29 =	rddreg [dreg:$0x14];
	s1 =	sadd.s32 s1, s26  }
0x12e: {  	[hbm4b:s1+s21] =	stream.strided.scatter [tilespmem:s28], [sflag:$0x4], $0x5000, s30, s21, $0x38;
	[tilespmem:$0x18100] =	vst v63  }
0x12f: {  	s31 =	simm.s32 $0x9100;
	s1 =	sadd.s32 $0x64000, s29  }
0x130: {  	[tilespmem:s31], [sflag:$0x2] =	stream.strided.gather [hbm4b:s1+s21], $0x5000, s30, s21, $0x38;
	[tilespmem:$0x18100] =	vst v63  }
0x131: {  	s0 =	simm.s32 $0x1  }
0x132: {  	_ =	swait.ge [sflag:s0], $0x5000  }
0x133: {  	[sflag:s0] =	ssyncset.done $0x0  }
0x134: {  	s31 =	simm.s32 $0x3;
	[sflag:s0] =	ssyncadd.s32 $0xFFFFB000  }
0x135: {  	_ =	swait.ge [sflag:s31], $0x5000  }
0x136: {  	[sflag:s31] =	ssyncset.done $0x0  }
0x137: {  	s2 =	simm.s32 $0x0;
	s0 =	simm.s32 $0x0;
	[sflag:s31] =	ssyncadd.s32 $0xFFFFB000  }
.LBB2_20:
0x138: {  	s1 =	sshll.u32 s2, $0x8;
	s3 =	sshll.u32 s2, $0x4  }
0x139: {  	s15 =	sshll.u32 s2, $0xA;
	s8 =	sand.u32 $0x40, s0;
	v2 =	vld [tilespmem:s0+$0x0];
	s24 =	simm.s32 $0x40  }
0x13a: {  	s6 =	sand.u32 $0x180, s0;
	s11 =	sand.u32 $0xC00, s0;
	s5 =	sand.u32 $0x1F0, s3;
	v18 =	vld [tilespmem:s24+$0x0]  }
0x13b: {  	s3 =	sand.u32 $0x7000, s15;
	s9 =	sor.u32 $0x30, s8;
	s10 =	sor.u32 $0x20, s8;
	v1 =	vld [tilespmem:s5+$0x1D80]  }
0x13c: {  	s4 =	sand.u32 $0x300, s1;
	s7 =	sor.u32 s9, s6;
	s17 =	sor.u32 s3, s11;
	v0 =	vld [tilespmem:s5+$0x3D00]  }
0x13d: {  	s16 =	sor.u32 s10, s6;
	v3 =	vld [tilespmem:s7+$0x0];
	s12 =	sor.u32 s4, s17  }
0x13e: {  	s5 =	sor.u32 $0x80, s4;
	v4 =	vld [tilespmem:s16+$0x0];
	s13 =	sor.u32 s9, s12  }
0x13f: {  	s11 =	sor.u32 s5, s17;
	s18 =	sor.u32 s10, s12;
	v5 =	vld [tilespmem:s13+$0x4100];
	v7 =	vand.u32 $0xF, v2  }
0x140: {  	s7 =	sor.u32 s11, s8;
	v6 =	vld [tilespmem:s18+$0x4100];
	v9 =	vxor.u32 $0x8, v7  }
0x141: {  	s14 =	sor.u32 $0x10, s8;
	s15 =	sor.u32 s11, s10;
	v2 =	vld [tilespmem:s7+$0x4100];
	v11 =	vperm.xlane v1, v9  }
0x142: {  	s6 =	sor.u32 s14, s6;
	s16 =	sand.u32 $0x40, s24;
	v12 =	vld [tilespmem:s15+$0x4100];
	v9 =	vperm.xlane v0, v9;
	v20 =	vperm.xlane v0, v7;
	v8 =	vand.u32 $0xF, v3  }
0x143: {  	s25 =	sand.u32 $0x180, s24;
	s10 =	sor.u32 s8, s12;
	s17 =	sor.u32 $0x20, s16;
	v23 =	vperm.xlane v1, v7;
	v3 =	vld [tilespmem:s6+$0x0];
	v4 =	vand.u32 $0xF, v4;
	v10 =	vperm.xlane v1, v8  }
0x144: {  	v19 =	vld [tilespmem:s10+$0x4100];
	s29 =	sor.u32 s17, s25;
	v13 =	vperm.xlane v1, v4;
	v16 =	vperm.xlane v0, v4;
	v4 =	vxor.u32 $0x8, v4  }
0x145: {  	v22 =	vld [tilespmem:s29+$0x0];
	s6 =	sor.u32 s11, s14;
	v14 =	vxor.u32 $0x8, v8;
	v8 =	vperm.xlane v0, v8;
	v17 =	vperm.xlane v1, v4  }
0x146: {  	s20 =	sor.u32 $0x30, s16;
	s11 =	sor.u32 s11, s9;
	v15 =	vld [tilespmem:s6+$0x4100];
	v2 =	vmul.f32 v11, v2;
	v4 =	vperm.xlane v0, v4  }
0x147: {  	s26 =	simm.s32 $0x200;
	s28 =	sor.u32 s20, s25;
	v24 =	vperm.xlane v0, v14;
	v6 =	vmul.f32 v13, v6;
	v13 =	vld [tilespmem:s11+$0x4100]  }
0x148: {  	s19 =	sor.u32 s14, s12;
	s9 =	sand.u32 $0xC00, s26;
	v2 =	vadd.f32 v9, v2;
	v9 =	vld [tilespmem:s28+$0x0];
	v11 =	vand.u32 $0xF, v3;
	v3 =	vmul.f32 v17, v12  }
0x149: {  	s31 =	sor.u32 s3, s9;
	v5 =	vmul.f32 v10, v5;
	v6 =	vadd.f32 v16, v6;
	v12 =	vld [tilespmem:s19+$0x4100];
	v16 =	vxor.u32 $0x8, v11  }
0x14a: {  	s21 =	sor.u32 s4, s31;
	v10 =	vperm.xlane v1, v14;
	v17 =	vperm.xlane v1, v16;
	v21 =	vadd.f32 v4, v3  }
0x14b: {  	s14 =	sor.u32 s17, s21;
	v3 =	vand.u32 $0xF, v18;
	v16 =	vperm.xlane v0, v16;
	v18 =	vperm.xlane v0, v11  }
0x14c: {  	s23 =	sor.u32 s5, s31;
	s9 =	sor.u32 s20, s21;
	v25 =	vld [tilespmem:s14+$0x4100];
	v8 =	vadd.f32 v8, v5;
	v14 =	vmul.f32 v17, v15;
	v15 =	vperm.xlane v1, v11  }
0x14d: {  	s22 =	sor.u32 $0x10, s16;
	s12 =	sor.u32 s23, s16;
	[tilespmem:s18+$0xE100] =	vst v6;
	v6 =	vand.u32 $0xF, v22;
	v22 =	vmul.f32 v23, v19;
	v4 =	vxor.u32 $0x8, v3;
	v17 =	vld [tilespmem:s9+$0x4100]  }
0x14e: {  	s8 =	sor.u32 s22, s25;
	[tilespmem:s13+$0xE100] =	vst v8;
	v19 =	vmul.f32 v10, v13;
	v13 =	vld [tilespmem:s12+$0x4100];
	v5 =	vand.u32 $0xF, v9;
	v9 =	vmul.f32 v15, v12  }
0x14f: {  	v8 =	vperm.xlane v1, v6;
	v7 =	vperm.xlane v1, v4;
	v11 =	vld [tilespmem:s8+$0x0];
	[tilespmem:s15+$0xE100] =	vst v21;
	s15 =	sor.u32 s23, s17  }
0x150: {  	v21 =	vperm.xlane v1, v5;
	v26 =	vadd.f32 v16, v14;
	v14 =	vld [tilespmem:s15+$0x4100];
	v18 =	vadd.f32 v18, v9  }
0x151: {  	s1 =	sor.u32 s23, s22;
	s18 =	simm.s32 $0x4;
	v10 =	vxor.u32 $0x8, v5;
	v15 =	vperm.xlane v0, v6;
	v16 =	vxor.u32 $0x8, v6  }
0x152: {  	s13 =	sor.u32 s22, s21;
	s17 =	sor.u32 s16, s21;
	s16 =	sor.u32 s23, s20;
	v12 =	vld [tilespmem:s1+$0x4100];
	v6 =	vperm.xlane v1, v10;
	v9 =	vmul.f32 v21, v17;
	[tilespmem:s19+$0xE100] =	vst v18;
	v18 =	vadd.f32 v24, v19  }
0x153: {  	s22 =	simm.s32 $0x80;
	s23 =	simm.s32 $0x80;
	v20 =	vadd.f32 v20, v22;
	v17 =	vmul.f32 v8, v25;
	v8 =	vld [tilespmem:s16+$0x4100];
	v19 =	vperm.xlane v1, v16;
	s19 =	simm.s32 $0x400;
	[tilespmem:s6+$0xE100] =	vst v26  }
.LBB2_21:
0x154: {  	s6 =	sand.u32 $0x40, s22;
	v21 =	vld [tilespmem:s23+$0x0];
	s8 =	sand.u32 $0x180, s22;
	s18 =	sadd.s32 $0x4, s18;
	v7 =	vmul.f32 v7, v13;
	v4 =	vperm.xlane v0, v4;
	v13 =	vand.u32 $0xF, v11;
	[tilespmem:s11+$0xE100] =	vst v18  }
0x155: {  	s20 =	sor.u32 $0x10, s6;
	s21 =	sor.u32 $0x20, s6;
	s24 =	sor.u32 $0x30, s6;
	v18 =	vld [tilespmem:s17+$0x4100];
	v11 =	vadd.f32 v15, v17;
	v14 =	vmul.f32 v19, v14;
	v15 =	vperm.xlane v0, v16;
	[tilespmem:s10+$0xE100] =	vst v20  }
0x156: {  	v17 =	vxor.u32 $0x8, v13;
	s11 =	sor.u32 s20, s8;
	s10 =	sor.u32 s21, s8;
	s8 =	sor.u32 s24, s8;
	v16 =	vld [tilespmem:s13+$0x4100];
	[tilespmem:s7+$0xE100] =	vst v2;
	v2 =	vadd.f32 v4, v7  }
0x157: {  	s25 =	sand.u32 $0xC00, s19;
	p0 =	slt.u32 s18, $0x1C;
	v20 =	vperm.xlane v0, v3;
	v4 =	vperm.xlane v1, v17;
	s7 =	smov.u32 s12;
	v19 =	vld [tilespmem:s8+$0x0];
	[tilespmem:s14+$0xE100] =	vst v11;
	v7 =	vadd.f32 v15, v14  }
0x158: {  	v22 =	vperm.xlane v0, v10;
	s8 =	sor.u32 s3, s25;
	v15 =	vperm.xlane v1, v3;
	s25 =	smov.u32 s1;
	v14 =	vld [tilespmem:s10+$0x0];
	s10 =	smov.u32 s17  }
0x159: {  	v5 =	vperm.xlane v0, v5;
	s17 =	sor.u32 s4, s8;
	s8 =	sor.u32 s5, s8;
	v10 =	vmul.f32 v4, v12;
	v3 =	vand.u32 $0xF, v21;
	v11 =	vld [tilespmem:s11+$0x0];
	[tilespmem:s15+$0xE100] =	vst v7;
	s11 =	smov.u32 s16  }
0x15a: {  	v17 =	vperm.xlane v0, v17;
	v12 =	vperm.xlane v1, v13;
	s26 =	sor.u32 s20, s17;
	s14 =	sor.u32 s21, s17;
	s28 =	sor.u32 s24, s17;
	v4 =	vxor.u32 $0x8, v3  }
0x15b: {  	v23 =	vperm.xlane v0, v13;
	v9 =	vadd.f32 v5, v9;
	s12 =	sor.u32 s8, s6;
	s1 =	sor.u32 s8, s20;
	s15 =	sor.u32 s8, s21;
	v7 =	vperm.xlane v1, v4;
	v21 =	vld [tilespmem:s28+$0x4100]  }
0x15c: {  	s17 =	sor.u32 s6, s17;
	s16 =	sor.u32 s8, s24;
	v25 =	vadd.f32 v17, v10;
	v12 =	vmul.f32 v12, v16;
	v24 =	vld [tilespmem:s14+$0x4100];
	v5 =	vand.u32 $0xF, v19  }
.Ltmp9:
0x15d: {  	v8 =	vmul.f32 v6, v8;
	v26 =	vmul.f32 v15, v18;
	v13 =	vld [tilespmem:s12+$0x4100];
	v16 =	vand.u32 $0xF, v14;
	[tilespmem:s9+$0xE100] =	vst v9;
	s9 =	smov.u32 s28;
	(pc) =	sbr.rel @p0 .LBB2_21-.Ltmp9, $4  }
0x15e: {  	v6 =	vperm.xlane v1, v5;
	v10 =	vxor.u32 $0x8, v5;
	v17 =	vadd.f32 v23, v12;
	v14 =	vld [tilespmem:s15+$0x4100]  }
0x15f: {  	v19 =	vperm.xlane v1, v16;
	v15 =	vperm.xlane v0, v16;
	v16 =	vxor.u32 $0x8, v16;
	v12 =	vld [tilespmem:s1+$0x4100]  }
0x160: {  	v18 =	vadd.f32 v22, v8;
	v9 =	vmul.f32 v6, v21;
	v6 =	vperm.xlane v1, v10;
	[tilespmem:s13+$0xE100] =	vst v17;
	s13 =	smov.u32 s26  }
0x161: {  	s19 =	sadd.s32 $0x200, s19;
	s22 =	sadd.s32 $0x40, s22;
	s23 =	sadd.s32 $0x40, s23;
	v20 =	vadd.f32 v20, v26;
	v17 =	vmul.f32 v19, v24;
	v19 =	vperm.xlane v1, v16;
	v8 =	vld [tilespmem:s16+$0x4100];
	[tilespmem:s25+$0xE100] =	vst v25  }
0x162: {  	v21 =	vld [tilespmem:s13+$0x4100];
	v16 =	vperm.xlane v0, v16  }
0x163: {  	v52 =	vld [tilespmem:s17+$0x4100];
	v53 =	vperm.xlane v1, v3;
	v5 =	vperm.xlane v0, v5  }
0x164: {  	v11 =	vand.u32 $0xF, v11;
	[tilespmem:s11+$0xE100] =	vst v18;
	v57 =	vperm.xlane v0, v10;
	v14 =	vmul.f32 v19, v14  }
0x165: {  	v51 =	vxor.u32 $0x8, v11;
	v23 =	vperm.xlane v1, v11;
	v15 =	vadd.f32 v15, v17;
	[tilespmem:s10+$0xE100] =	vst v20  }
0x166: {  	v11 =	vperm.xlane v0, v11;
	[tilespmem:s7+$0xE100] =	vst v2;
	v5 =	vadd.f32 v5, v9;
	v58 =	vmul.f32 v6, v8  }
0x167: {  	v22 =	vperm.xlane v1, v51;
	v54 =	vadd.f32 v16, v14;
	[tilespmem:s14+$0xE100] =	vst v15;
	v55 =	vmul.f32 v23, v21  }
0x168: {  	v60 =	vperm.xlane v0, v3;
	s2 =	sadd.s32 $0x1, s2;
	[tilespmem:s9+$0xE100] =	vst v5;
	v1 =	vmul.f32 v53, v52;
	v2 =	vadd.f32 v57, v58  }
0x169: {  	p0 =	sne.s32 s2, $0x14;
	v56 =	vperm.xlane v0, v51;
	v12 =	vmul.f32 v22, v12;
	[tilespmem:s15+$0xE100] =	vst v54;
	v59 =	vadd.f32 v11, v55  }
.Ltmp10:
0x16a: {  	v62 =	vmul.f32 v7, v13;
	v63 =	vperm.xlane v0, v4;
	v1 =	vadd.f32 v60, v1;
	[tilespmem:s16+$0xE100] =	vst v2;
	(pc) =	sbr.rel @p0 .LBB2_20-.Ltmp10, $4  }
0x16b: {  	v61 =	vadd.f32 v56, v12;
	[tilespmem:s13+$0xE100] =	vst v59  }
0x16c: {  	v0 =	vadd.f32 v63, v62;
	[tilespmem:s17+$0xE100] =	vst v1  }
0x16d: {  	[tilespmem:s1+$0xE100] =	vst v61  }
0x16e: {  	[tilespmem:s12+$0xE100] =	vst v0  }
0x16f: {  	s0 =	rddreg [dreg:$0xe];
	s1 =	simm.s32 $0x1000;
	s2 =	simm.s32 $0xE100  }
0x170: {  	[hbm4b:s0+s1] =	stream.strided.scatter [tilespmem:s2], [sflag:$0x3], $0x5000, s30, s1, $0x38;
	[tilespmem:$0x18100] =	vst v63  }
0x171: {  	s25 =	rddreg [dreg:$0xf];
	s26 =	simm.s32 $0x4100;
	s28 =	simm.s32 $0x2  }
0x172: {  	[tilespmem:s26], [sflag:$0x1] =	stream.strided.gather [hbm4b:s25+s1], $0x5000, s30, s1, $0x38;
	[tilespmem:$0x18100] =	vst v63  }
0x173: {  	_ =	swait.ge [sflag:s28], $0x5000  }
0x174: {  	[sflag:s28] =	ssyncset.done $0x0  }
0x175: {  	s31 =	simm.s32 $0x4;
	[sflag:s28] =	ssyncadd.s32 $0xFFFFB000  }
0x176: {  	_ =	swait.ge [sflag:s31], $0x5000  }
0x177: {  	s29 =	simm.s32 $0x1000;
	[sflag:s31] =	ssyncset.done $0x0  }
0x178: {  	s0 =	simm.s32 $0x0;
	s2 =	simm.s32 $0x0;
	[sflag:s31] =	ssyncadd.s32 $0xFFFFB000  }
.LBB2_24:
0x179: {  	s1 =	sshll.u32 s2, $0x8  }
0x17a: {  	s5 =	sshll.u32 s2, $0x4;
	s3 =	sshll.u32 s2, $0xA;
	s8 =	sand.u32 $0x40, s0;
	v2 =	vld [tilespmem:s0+$0x0]  }
0x17b: {  	s6 =	sand.u32 $0x180, s0;
	s11 =	sand.u32 $0xC00, s0;
	s23 =	simm.s32 $0x40;
	v1 =	vld [tilespmem:s5+$0x1EC0]  }
0x17c: {  	s3 =	sand.u32 $0x7000, s3;
	s9 =	sor.u32 $0x30, s8;
	s10 =	sor.u32 $0x20, s8;
	v0 =	vld [tilespmem:s5+$0x3E40]  }
0x17d: {  	s4 =	sand.u32 $0x300, s1;
	v18 =	vld [tilespmem:s23+$0x0];
	s7 =	sor.u32 s9, s6;
	s17 =	sor.u32 s3, s11  }
0x17e: {  	s16 =	sor.u32 s10, s6;
	v3 =	vld [tilespmem:s7+$0x0];
	s12 =	sor.u32 s4, s17  }
0x17f: {  	s5 =	sor.u32 $0x80, s4;
	v4 =	vld [tilespmem:s16+$0x0];
	s13 =	sor.u32 s9, s12  }
0x180: {  	s11 =	sor.u32 s5, s17;
	s18 =	sor.u32 s10, s12;
	v5 =	vld [tilespmem:s13+$0x9100]  }
0x181: {  	s7 =	sor.u32 s11, s8;
	v6 =	vld [tilespmem:s18+$0x9100];
	v7 =	vand.u32 $0xF, v2  }
0x182: {  	s14 =	sor.u32 $0x10, s8;
	s15 =	sor.u32 s11, s10;
	v2 =	vld [tilespmem:s7+$0x9100];
	v9 =	vxor.u32 $0x8, v7;
	v20 =	vperm.xlane v0, v7  }
0x183: {  	s6 =	sor.u32 s14, s6;
	s16 =	sand.u32 $0x40, s23;
	v12 =	vld [tilespmem:s15+$0x9100];
	v23 =	vperm.xlane v1, v7;
	v11 =	vperm.xlane v1, v9;
	v8 =	vand.u32 $0xF, v3  }
0x184: {  	s24 =	sand.u32 $0x180, s23;
	s10 =	sor.u32 s8, s12;
	s17 =	sor.u32 $0x20, s16;
	v9 =	vperm.xlane v0, v9;
	v3 =	vld [tilespmem:s6+$0x0];
	v4 =	vand.u32 $0xF, v4;
	v10 =	vperm.xlane v1, v8  }
0x185: {  	v19 =	vld [tilespmem:s10+$0x9100];
	s28 =	sor.u32 s17, s24;
	v13 =	vperm.xlane v1, v4;
	v16 =	vperm.xlane v0, v4;
	v4 =	vxor.u32 $0x8, v4  }
0x186: {  	v22 =	vld [tilespmem:s28+$0x0];
	s6 =	sor.u32 s11, s14;
	v14 =	vxor.u32 $0x8, v8;
	v8 =	vperm.xlane v0, v8;
	v17 =	vperm.xlane v1, v4  }
0x187: {  	s20 =	sor.u32 $0x30, s16;
	s11 =	sor.u32 s11, s9;
	v15 =	vld [tilespmem:s6+$0x9100];
	v2 =	vmul.f32 v11, v2;
	v4 =	vperm.xlane v0, v4  }
0x188: {  	s25 =	simm.s32 $0x200;
	s26 =	sor.u32 s20, s24;
	v24 =	vperm.xlane v0, v14;
	v6 =	vmul.f32 v13, v6;
	v13 =	vld [tilespmem:s11+$0x9100]  }
0x189: {  	s19 =	sor.u32 s14, s12;
	s9 =	sand.u32 $0xC00, s25;
	v2 =	vadd.f32 v9, v2;
	v9 =	vld [tilespmem:s26+$0x0];
	v11 =	vand.u32 $0xF, v3;
	v3 =	vmul.f32 v17, v12  }
0x18a: {  	s31 =	sor.u32 s3, s9;
	v5 =	vmul.f32 v10, v5;
	v6 =	vadd.f32 v16, v6;
	v12 =	vld [tilespmem:s19+$0x9100];
	v16 =	vxor.u32 $0x8, v11  }
0x18b: {  	s21 =	sor.u32 s4, s31;
	v10 =	vperm.xlane v1, v14;
	v17 =	vperm.xlane v1, v16;
	v21 =	vadd.f32 v4, v3  }
0x18c: {  	s14 =	sor.u32 s17, s21;
	v3 =	vand.u32 $0xF, v18;
	v16 =	vperm.xlane v0, v16;
	v18 =	vperm.xlane v0, v11  }
0x18d: {  	s23 =	sor.u32 s5, s31;
	s9 =	sor.u32 s20, s21;
	v25 =	vld [tilespmem:s14+$0x9100];
	v8 =	vadd.f32 v8, v5;
	v14 =	vmul.f32 v17, v15;
	v15 =	vperm.xlane v1, v11  }
0x18e: {  	s22 =	sor.u32 $0x10, s16;
	s12 =	sor.u32 s23, s16;
	[tilespmem:s18+$0x13100] =	vst v6;
	v6 =	vand.u32 $0xF, v22;
	v22 =	vmul.f32 v23, v19;
	v4 =	vxor.u32 $0x8, v3;
	v17 =	vld [tilespmem:s9+$0x9100]  }
0x18f: {  	s8 =	sor.u32 s22, s24;
	[tilespmem:s13+$0x13100] =	vst v8;
	v19 =	vmul.f32 v10, v13;
	v13 =	vld [tilespmem:s12+$0x9100];
	v5 =	vand.u32 $0xF, v9;
	v9 =	vmul.f32 v15, v12  }
0x190: {  	v8 =	vperm.xlane v1, v6;
	v7 =	vperm.xlane v1, v4;
	v11 =	vld [tilespmem:s8+$0x0];
	[tilespmem:s15+$0x13100] =	vst v21;
	s15 =	sor.u32 s23, s17  }
0x191: {  	v21 =	vperm.xlane v1, v5;
	v26 =	vadd.f32 v16, v14;
	v14 =	vld [tilespmem:s15+$0x9100];
	v18 =	vadd.f32 v18, v9  }
0x192: {  	s1 =	sor.u32 s23, s22;
	s18 =	simm.s32 $0x4;
	v10 =	vxor.u32 $0x8, v5;
	v15 =	vperm.xlane v0, v6;
	v16 =	vxor.u32 $0x8, v6  }
0x193: {  	s13 =	sor.u32 s22, s21;
	s17 =	sor.u32 s16, s21;
	s16 =	sor.u32 s23, s20;
	v12 =	vld [tilespmem:s1+$0x9100];
	v6 =	vperm.xlane v1, v10;
	v9 =	vmul.f32 v21, v17;
	[tilespmem:s19+$0x13100] =	vst v18;
	v18 =	vadd.f32 v24, v19  }
0x194: {  	s22 =	simm.s32 $0x80;
	s23 =	simm.s32 $0x80;
	v20 =	vadd.f32 v20, v22;
	v17 =	vmul.f32 v8, v25;
	v8 =	vld [tilespmem:s16+$0x9100];
	v19 =	vperm.xlane v1, v16;
	s19 =	simm.s32 $0x400;
	[tilespmem:s6+$0x13100] =	vst v26  }
.LBB2_25:
0x195: {  	s6 =	sand.u32 $0x40, s22;
	v21 =	vld [tilespmem:s23+$0x0];
	s8 =	sand.u32 $0x180, s22;
	s18 =	sadd.s32 $0x4, s18;
	v7 =	vmul.f32 v7, v13;
	v4 =	vperm.xlane v0, v4;
	v13 =	vand.u32 $0xF, v11;
	[tilespmem:s11+$0x13100] =	vst v18  }
0x196: {  	s20 =	sor.u32 $0x10, s6;
	s21 =	sor.u32 $0x20, s6;
	s24 =	sor.u32 $0x30, s6;
	v18 =	vld [tilespmem:s17+$0x9100];
	v11 =	vadd.f32 v15, v17;
	v14 =	vmul.f32 v19, v14;
	v15 =	vperm.xlane v0, v16;
	[tilespmem:s10+$0x13100] =	vst v20  }
0x197: {  	v17 =	vxor.u32 $0x8, v13;
	s11 =	sor.u32 s20, s8;
	s10 =	sor.u32 s21, s8;
	s8 =	sor.u32 s24, s8;
	v16 =	vld [tilespmem:s13+$0x9100];
	[tilespmem:s7+$0x13100] =	vst v2;
	v2 =	vadd.f32 v4, v7  }
0x198: {  	s25 =	sand.u32 $0xC00, s19;
	p0 =	slt.u32 s18, $0x1C;
	v20 =	vperm.xlane v0, v3;
	v4 =	vperm.xlane v1, v17;
	s7 =	smov.u32 s12;
	v19 =	vld [tilespmem:s8+$0x0];
	[tilespmem:s14+$0x13100] =	vst v11;
	v7 =	vadd.f32 v15, v14  }
0x199: {  	v22 =	vperm.xlane v0, v10;
	s8 =	sor.u32 s3, s25;
	v15 =	vperm.xlane v1, v3;
	s25 =	smov.u32 s1;
	v14 =	vld [tilespmem:s10+$0x0];
	s10 =	smov.u32 s17  }
0x19a: {  	v5 =	vperm.xlane v0, v5;
	s17 =	sor.u32 s4, s8;
	s8 =	sor.u32 s5, s8;
	v10 =	vmul.f32 v4, v12;
	v3 =	vand.u32 $0xF, v21;
	v11 =	vld [tilespmem:s11+$0x0];
	[tilespmem:s15+$0x13100] =	vst v7;
	s11 =	smov.u32 s16  }
0x19b: {  	v17 =	vperm.xlane v0, v17;
	v12 =	vperm.xlane v1, v13;
	s26 =	sor.u32 s20, s17;
	s14 =	sor.u32 s21, s17;
	s28 =	sor.u32 s24, s17;
	v4 =	vxor.u32 $0x8, v3  }
0x19c: {  	v23 =	vperm.xlane v0, v13;
	v9 =	vadd.f32 v5, v9;
	s12 =	sor.u32 s8, s6;
	s1 =	sor.u32 s8, s20;
	s15 =	sor.u32 s8, s21;
	v7 =	vperm.xlane v1, v4;
	v21 =	vld [tilespmem:s28+$0x9100]  }
0x19d: {  	s17 =	sor.u32 s6, s17;
	s16 =	sor.u32 s8, s24;
	v25 =	vadd.f32 v17, v10;
	v12 =	vmul.f32 v12, v16;
	v24 =	vld [tilespmem:s14+$0x9100];
	v5 =	vand.u32 $0xF, v19  }
.Ltmp11:
0x19e: {  	v8 =	vmul.f32 v6, v8;
	v26 =	vmul.f32 v15, v18;
	v13 =	vld [tilespmem:s12+$0x9100];
	v16 =	vand.u32 $0xF, v14;
	[tilespmem:s9+$0x13100] =	vst v9;
	s9 =	smov.u32 s28;
	(pc) =	sbr.rel @p0 .LBB2_25-.Ltmp11, $4  }
0x19f: {  	v6 =	vperm.xlane v1, v5;
	v10 =	vxor.u32 $0x8, v5;
	v17 =	vadd.f32 v23, v12;
	v14 =	vld [tilespmem:s15+$0x9100]  }
0x1a0: {  	v19 =	vperm.xlane v1, v16;
	v15 =	vperm.xlane v0, v16;
	v16 =	vxor.u32 $0x8, v16;
	v12 =	vld [tilespmem:s1+$0x9100]  }
0x1a1: {  	v18 =	vadd.f32 v22, v8;
	v9 =	vmul.f32 v6, v21;
	v6 =	vperm.xlane v1, v10;
	[tilespmem:s13+$0x13100] =	vst v17;
	s13 =	smov.u32 s26  }
0x1a2: {  	s19 =	sadd.s32 $0x200, s19;
	s22 =	sadd.s32 $0x40, s22;
	s23 =	sadd.s32 $0x40, s23;
	v20 =	vadd.f32 v20, v26;
	v17 =	vmul.f32 v19, v24;
	v19 =	vperm.xlane v1, v16;
	v8 =	vld [tilespmem:s16+$0x9100];
	[tilespmem:s25+$0x13100] =	vst v25  }
0x1a3: {  	v21 =	vld [tilespmem:s13+$0x9100];
	v16 =	vperm.xlane v0, v16  }
0x1a4: {  	v52 =	vld [tilespmem:s17+$0x9100];
	v53 =	vperm.xlane v1, v3;
	v5 =	vperm.xlane v0, v5  }
0x1a5: {  	v11 =	vand.u32 $0xF, v11;
	[tilespmem:s11+$0x13100] =	vst v18;
	v57 =	vperm.xlane v0, v10;
	v14 =	vmul.f32 v19, v14  }
0x1a6: {  	v51 =	vxor.u32 $0x8, v11;
	v23 =	vperm.xlane v1, v11;
	v15 =	vadd.f32 v15, v17;
	[tilespmem:s10+$0x13100] =	vst v20  }
0x1a7: {  	v11 =	vperm.xlane v0, v11;
	[tilespmem:s7+$0x13100] =	vst v2;
	v5 =	vadd.f32 v5, v9;
	v58 =	vmul.f32 v6, v8  }
0x1a8: {  	v22 =	vperm.xlane v1, v51;
	v54 =	vadd.f32 v16, v14;
	[tilespmem:s14+$0x13100] =	vst v15;
	v55 =	vmul.f32 v23, v21  }
0x1a9: {  	v60 =	vperm.xlane v0, v3;
	s2 =	sadd.s32 $0x1, s2;
	[tilespmem:s9+$0x13100] =	vst v5;
	v1 =	vmul.f32 v53, v52;
	v2 =	vadd.f32 v57, v58  }
0x1aa: {  	p0 =	sne.s32 s2, $0x14;
	v56 =	vperm.xlane v0, v51;
	v12 =	vmul.f32 v22, v12;
	[tilespmem:s15+$0x13100] =	vst v54;
	v59 =	vadd.f32 v11, v55  }
.Ltmp12:
0x1ab: {  	v62 =	vmul.f32 v7, v13;
	v63 =	vperm.xlane v0, v4;
	v1 =	vadd.f32 v60, v1;
	[tilespmem:s16+$0x13100] =	vst v2;
	(pc) =	sbr.rel @p0 .LBB2_24-.Ltmp12, $4  }
0x1ac: {  	v61 =	vadd.f32 v56, v12;
	[tilespmem:s13+$0x13100] =	vst v59  }
0x1ad: {  	v0 =	vadd.f32 v63, v62;
	[tilespmem:s17+$0x13100] =	vst v1  }
0x1ae: {  	[tilespmem:s1+$0x13100] =	vst v61  }
0x1af: {  	[tilespmem:s12+$0x13100] =	vst v0  }
0x1b0: {  	s0 =	rddreg [dreg:$0x10];
	s1 =	simm.s32 $0x13100  }
0x1b1: {  	[hbm4b:s0+s29] =	stream.strided.scatter [tilespmem:s1], [sflag:$0x4], $0x5000, s30, s29, $0x38;
	[tilespmem:$0x18100] =	vst v63  }
0x1b2: {  	s29 =	simm.s32 $0x1  }
0x1b3: {  	_ =	swait.ge [sflag:s29], $0x5000  }
0x1b4: {  	[sflag:s29] =	ssyncset.done $0x0  }
0x1b5: {  	s31 =	simm.s32 $0x3;
	[sflag:s29] =	ssyncadd.s32 $0xFFFFB000  }
0x1b6: {  	_ =	swait.ge [sflag:s31], $0x5000  }
0x1b7: {  	[sflag:s31] =	ssyncset.done $0x0  }
0x1b8: {  	s2 =	simm.s32 $0x0;
	s0 =	simm.s32 $0x0;
	[sflag:s31] =	ssyncadd.s32 $0xFFFFB000  }
.LBB2_28:
0x1b9: {  	s1 =	sshll.u32 s2, $0x8  }
0x1ba: {  	s5 =	sshll.u32 s2, $0x4;
	s3 =	sshll.u32 s2, $0xA;
	s8 =	sand.u32 $0x40, s0;
	v2 =	vld [tilespmem:s0+$0x0]  }
0x1bb: {  	s6 =	sand.u32 $0x180, s0;
	s11 =	sand.u32 $0xC00, s0;
	s24 =	simm.s32 $0x40;
	v1 =	vld [tilespmem:s5+$0x2000]  }
0x1bc: {  	s3 =	sand.u32 $0x7000, s3;
	s9 =	sor.u32 $0x30, s8;
	s10 =	sor.u32 $0x20, s8;
	v0 =	vld [tilespmem:s5+$0x3F80]  }
0x1bd: {  	s4 =	sand.u32 $0x300, s1;
	v18 =	vld [tilespmem:s24+$0x0];
	s7 =	sor.u32 s9, s6;
	s17 =	sor.u32 s3, s11  }
0x1be: {  	s16 =	sor.u32 s10, s6;
	v3 =	vld [tilespmem:s7+$0x0];
	s12 =	sor.u32 s4, s17  }
0x1bf: {  	s5 =	sor.u32 $0x80, s4;
	v4 =	vld [tilespmem:s16+$0x0];
	s13 =	sor.u32 s9, s12  }
0x1c0: {  	s11 =	sor.u32 s5, s17;
	s18 =	sor.u32 s10, s12;
	v5 =	vld [tilespmem:s13+$0x4100]  }
0x1c1: {  	s7 =	sor.u32 s11, s8;
	v6 =	vld [tilespmem:s18+$0x4100];
	v7 =	vand.u32 $0xF, v2  }
0x1c2: {  	s14 =	sor.u32 $0x10, s8;
	s15 =	sor.u32 s11, s10;
	v2 =	vld [tilespmem:s7+$0x4100];
	v9 =	vxor.u32 $0x8, v7;
	v20 =	vperm.xlane v0, v7  }
0x1c3: {  	s6 =	sor.u32 s14, s6;
	s16 =	sand.u32 $0x40, s24;
	v12 =	vld [tilespmem:s15+$0x4100];
	v23 =	vperm.xlane v1, v7;
	v11 =	vperm.xlane v1, v9;
	v8 =	vand.u32 $0xF, v3  }
0x1c4: {  	s25 =	sand.u32 $0x180, s24;
	s10 =	sor.u32 s8, s12;
	s17 =	sor.u32 $0x20, s16;
	v9 =	vperm.xlane v0, v9;
	v3 =	vld [tilespmem:s6+$0x0];
	v4 =	vand.u32 $0xF, v4;
	v10 =	vperm.xlane v1, v8  }
0x1c5: {  	v19 =	vld [tilespmem:s10+$0x4100];
	s29 =	sor.u32 s17, s25;
	v13 =	vperm.xlane v1, v4;
	v16 =	vperm.xlane v0, v4;
	v4 =	vxor.u32 $0x8, v4  }
0x1c6: {  	v22 =	vld [tilespmem:s29+$0x0];
	s6 =	sor.u32 s11, s14;
	v14 =	vxor.u32 $0x8, v8;
	v8 =	vperm.xlane v0, v8;
	v17 =	vperm.xlane v1, v4  }
0x1c7: {  	s20 =	sor.u32 $0x30, s16;
	s11 =	sor.u32 s11, s9;
	v15 =	vld [tilespmem:s6+$0x4100];
	v2 =	vmul.f32 v11, v2;
	v4 =	vperm.xlane v0, v4  }
0x1c8: {  	s26 =	simm.s32 $0x200;
	s28 =	sor.u32 s20, s25;
	v24 =	vperm.xlane v0, v14;
	v6 =	vmul.f32 v13, v6;
	v13 =	vld [tilespmem:s11+$0x4100]  }
0x1c9: {  	s19 =	sor.u32 s14, s12;
	s9 =	sand.u32 $0xC00, s26;
	v2 =	vadd.f32 v9, v2;
	v9 =	vld [tilespmem:s28+$0x0];
	v11 =	vand.u32 $0xF, v3;
	v3 =	vmul.f32 v17, v12  }
0x1ca: {  	s31 =	sor.u32 s3, s9;
	v5 =	vmul.f32 v10, v5;
	v6 =	vadd.f32 v16, v6;
	v12 =	vld [tilespmem:s19+$0x4100];
	v16 =	vxor.u32 $0x8, v11  }
0x1cb: {  	s21 =	sor.u32 s4, s31;
	v10 =	vperm.xlane v1, v14;
	v17 =	vperm.xlane v1, v16;
	v21 =	vadd.f32 v4, v3  }
0x1cc: {  	s14 =	sor.u32 s17, s21;
	v3 =	vand.u32 $0xF, v18;
	v16 =	vperm.xlane v0, v16;
	v18 =	vperm.xlane v0, v11  }
0x1cd: {  	s23 =	sor.u32 s5, s31;
	s9 =	sor.u32 s20, s21;
	v25 =	vld [tilespmem:s14+$0x4100];
	v8 =	vadd.f32 v8, v5;
	v14 =	vmul.f32 v17, v15;
	v15 =	vperm.xlane v1, v11  }
0x1ce: {  	s22 =	sor.u32 $0x10, s16;
	s12 =	sor.u32 s23, s16;
	[tilespmem:s18+$0xE100] =	vst v6;
	v6 =	vand.u32 $0xF, v22;
	v22 =	vmul.f32 v23, v19;
	v4 =	vxor.u32 $0x8, v3;
	v17 =	vld [tilespmem:s9+$0x4100]  }
0x1cf: {  	s8 =	sor.u32 s22, s25;
	[tilespmem:s13+$0xE100] =	vst v8;
	v19 =	vmul.f32 v10, v13;
	v13 =	vld [tilespmem:s12+$0x4100];
	v5 =	vand.u32 $0xF, v9;
	v9 =	vmul.f32 v15, v12  }
0x1d0: {  	v8 =	vperm.xlane v1, v6;
	v7 =	vperm.xlane v1, v4;
	v11 =	vld [tilespmem:s8+$0x0];
	[tilespmem:s15+$0xE100] =	vst v21;
	s15 =	sor.u32 s23, s17  }
0x1d1: {  	v21 =	vperm.xlane v1, v5;
	v26 =	vadd.f32 v16, v14;
	v14 =	vld [tilespmem:s15+$0x4100];
	v18 =	vadd.f32 v18, v9  }
0x1d2: {  	s1 =	sor.u32 s23, s22;
	s18 =	simm.s32 $0x4;
	v10 =	vxor.u32 $0x8, v5;
	v15 =	vperm.xlane v0, v6;
	v16 =	vxor.u32 $0x8, v6  }
0x1d3: {  	s13 =	sor.u32 s22, s21;
	s17 =	sor.u32 s16, s21;
	s16 =	sor.u32 s23, s20;
	v12 =	vld [tilespmem:s1+$0x4100];
	v6 =	vperm.xlane v1, v10;
	v9 =	vmul.f32 v21, v17;
	[tilespmem:s19+$0xE100] =	vst v18;
	v18 =	vadd.f32 v24, v19  }
0x1d4: {  	s22 =	simm.s32 $0x80;
	s23 =	simm.s32 $0x80;
	v20 =	vadd.f32 v20, v22;
	v17 =	vmul.f32 v8, v25;
	v8 =	vld [tilespmem:s16+$0x4100];
	v19 =	vperm.xlane v1, v16;
	s19 =	simm.s32 $0x400;
	[tilespmem:s6+$0xE100] =	vst v26  }
.LBB2_29:
0x1d5: {  	s6 =	sand.u32 $0x40, s22;
	v21 =	vld [tilespmem:s23+$0x0];
	s8 =	sand.u32 $0x180, s22;
	s18 =	sadd.s32 $0x4, s18;
	v7 =	vmul.f32 v7, v13;
	v4 =	vperm.xlane v0, v4;
	v13 =	vand.u32 $0xF, v11;
	[tilespmem:s11+$0xE100] =	vst v18  }
0x1d6: {  	s20 =	sor.u32 $0x10, s6;
	s21 =	sor.u32 $0x20, s6;
	s24 =	sor.u32 $0x30, s6;
	v18 =	vld [tilespmem:s17+$0x4100];
	v11 =	vadd.f32 v15, v17;
	v14 =	vmul.f32 v19, v14;
	v15 =	vperm.xlane v0, v16;
	[tilespmem:s10+$0xE100] =	vst v20  }
0x1d7: {  	v17 =	vxor.u32 $0x8, v13;
	s11 =	sor.u32 s20, s8;
	s10 =	sor.u32 s21, s8;
	s8 =	sor.u32 s24, s8;
	v16 =	vld [tilespmem:s13+$0x4100];
	[tilespmem:s7+$0xE100] =	vst v2;
	v2 =	vadd.f32 v4, v7  }
0x1d8: {  	s25 =	sand.u32 $0xC00, s19;
	p0 =	slt.u32 s18, $0x1C;
	v20 =	vperm.xlane v0, v3;
	v4 =	vperm.xlane v1, v17;
	s7 =	smov.u32 s12;
	v19 =	vld [tilespmem:s8+$0x0];
	[tilespmem:s14+$0xE100] =	vst v11;
	v7 =	vadd.f32 v15, v14  }
0x1d9: {  	v22 =	vperm.xlane v0, v10;
	s8 =	sor.u32 s3, s25;
	v15 =	vperm.xlane v1, v3;
	s25 =	smov.u32 s1;
	v14 =	vld [tilespmem:s10+$0x0];
	s10 =	smov.u32 s17  }
0x1da: {  	v5 =	vperm.xlane v0, v5;
	s17 =	sor.u32 s4, s8;
	s8 =	sor.u32 s5, s8;
	v10 =	vmul.f32 v4, v12;
	v3 =	vand.u32 $0xF, v21;
	v11 =	vld [tilespmem:s11+$0x0];
	[tilespmem:s15+$0xE100] =	vst v7;
	s11 =	smov.u32 s16  }
0x1db: {  	v17 =	vperm.xlane v0, v17;
	v12 =	vperm.xlane v1, v13;
	s26 =	sor.u32 s20, s17;
	s14 =	sor.u32 s21, s17;
	s28 =	sor.u32 s24, s17;
	v4 =	vxor.u32 $0x8, v3  }
0x1dc: {  	v23 =	vperm.xlane v0, v13;
	v9 =	vadd.f32 v5, v9;
	s12 =	sor.u32 s8, s6;
	s1 =	sor.u32 s8, s20;
	s15 =	sor.u32 s8, s21;
	v7 =	vperm.xlane v1, v4;
	v21 =	vld [tilespmem:s28+$0x4100]  }
0x1dd: {  	s17 =	sor.u32 s6, s17;
	s16 =	sor.u32 s8, s24;
	v25 =	vadd.f32 v17, v10;
	v12 =	vmul.f32 v12, v16;
	v24 =	vld [tilespmem:s14+$0x4100];
	v5 =	vand.u32 $0xF, v19  }
.Ltmp13:
0x1de: {  	v8 =	vmul.f32 v6, v8;
	v26 =	vmul.f32 v15, v18;
	v13 =	vld [tilespmem:s12+$0x4100];
	v16 =	vand.u32 $0xF, v14;
	[tilespmem:s9+$0xE100] =	vst v9;
	s9 =	smov.u32 s28;
	(pc) =	sbr.rel @p0 .LBB2_29-.Ltmp13, $4  }
0x1df: {  	v6 =	vperm.xlane v1, v5;
	v10 =	vxor.u32 $0x8, v5;
	v17 =	vadd.f32 v23, v12;
	v14 =	vld [tilespmem:s15+$0x4100]  }
0x1e0: {  	v19 =	vperm.xlane v1, v16;
	v15 =	vperm.xlane v0, v16;
	v16 =	vxor.u32 $0x8, v16;
	v12 =	vld [tilespmem:s1+$0x4100]  }
0x1e1: {  	v18 =	vadd.f32 v22, v8;
	v9 =	vmul.f32 v6, v21;
	v6 =	vperm.xlane v1, v10;
	[tilespmem:s13+$0xE100] =	vst v17;
	s13 =	smov.u32 s26  }
0x1e2: {  	s19 =	sadd.s32 $0x200, s19;
	s22 =	sadd.s32 $0x40, s22;
	s23 =	sadd.s32 $0x40, s23;
	v20 =	vadd.f32 v20, v26;
	v17 =	vmul.f32 v19, v24;
	v19 =	vperm.xlane v1, v16;
	v8 =	vld [tilespmem:s16+$0x4100];
	[tilespmem:s25+$0xE100] =	vst v25  }
0x1e3: {  	v21 =	vld [tilespmem:s13+$0x4100];
	v16 =	vperm.xlane v0, v16  }
0x1e4: {  	v52 =	vld [tilespmem:s17+$0x4100];
	v53 =	vperm.xlane v1, v3;
	v5 =	vperm.xlane v0, v5  }
0x1e5: {  	v11 =	vand.u32 $0xF, v11;
	[tilespmem:s11+$0xE100] =	vst v18;
	v57 =	vperm.xlane v0, v10;
	v14 =	vmul.f32 v19, v14  }
0x1e6: {  	v51 =	vxor.u32 $0x8, v11;
	v23 =	vperm.xlane v1, v11;
	v15 =	vadd.f32 v15, v17;
	[tilespmem:s10+$0xE100] =	vst v20  }
0x1e7: {  	v11 =	vperm.xlane v0, v11;
	[tilespmem:s7+$0xE100] =	vst v2;
	v5 =	vadd.f32 v5, v9;
	v58 =	vmul.f32 v6, v8  }
0x1e8: {  	v22 =	vperm.xlane v1, v51;
	v54 =	vadd.f32 v16, v14;
	[tilespmem:s14+$0xE100] =	vst v15;
	v55 =	vmul.f32 v23, v21  }
0x1e9: {  	v60 =	vperm.xlane v0, v3;
	s2 =	sadd.s32 $0x1, s2;
	[tilespmem:s9+$0xE100] =	vst v5;
	v1 =	vmul.f32 v53, v52;
	v2 =	vadd.f32 v57, v58  }
0x1ea: {  	p0 =	sne.s32 s2, $0x14;
	v56 =	vperm.xlane v0, v51;
	v12 =	vmul.f32 v22, v12;
	[tilespmem:s15+$0xE100] =	vst v54;
	v59 =	vadd.f32 v11, v55  }
.Ltmp14:
0x1eb: {  	v62 =	vmul.f32 v7, v13;
	v63 =	vperm.xlane v0, v4;
	v1 =	vadd.f32 v60, v1;
	[tilespmem:s16+$0xE100] =	vst v2;
	(pc) =	sbr.rel @p0 .LBB2_28-.Ltmp14, $4  }
0x1ec: {  	v61 =	vadd.f32 v56, v12;
	[tilespmem:s13+$0xE100] =	vst v59  }
0x1ed: {  	v0 =	vadd.f32 v63, v62;
	[tilespmem:s17+$0xE100] =	vst v1  }
0x1ee: {  	[tilespmem:s1+$0xE100] =	vst v61  }
0x1ef: {  	[tilespmem:s12+$0xE100] =	vst v0  }
0x1f0: {  	s0 =	rddreg [dreg:$0x11]  }
0x1f1: {  	s21 =	simm.s32 $0x1000;
	s1 =	simm.s32 $0xE100;
	s28 =	simm.s32 $0x4  }
0x1f2: {  	[hbm4b:s0+s21] =	stream.strided.scatter [tilespmem:s1], [sflag:$0x3], $0x5000, s30, s21, $0x38;
	[tilespmem:$0x18100] =	vst v63  }
0x1f3: {  	_ =	swait.ge [sflag:s28], $0x5000  }
0x1f4: {  	[sflag:s28] =	ssyncset.done $0x0  }
0x1f5: {  	s29 =	simm.s32 $0x3;
	[sflag:s28] =	ssyncadd.s32 $0xFFFFB000  }
0x1f6: {  	_ =	swait.ge [sflag:s29], $0x5000  }
0x1f7: {  	s2 =	rddreg [dreg:$0x13]  }
0x1f8: {  	s31 =	rddreg [dreg:$0x12];
	s2 =	sadd.s32 $0x1, s2  }
0x1f9: {  	p0 =	sne.s32 s2, s31  }
.Ltmp15:
0x1fa: {  	_ = 	snop;
	(pc) =	sbr.rel @p0 .LBB2_1-.Ltmp15, $3  }
0x1fb: {  	_ =	sdelay $0x1  }
0x1fc: {  	[sflag:s29] =	ssyncset.done $0x0  }
0x1fd: {  	[sflag:s29] =	ssyncadd.s32 $0xFFFFB000  }
0x1fe: {  	_ =	sfence.sel $0x180000  }
0x1ff: {  	[bflag:$0x0] =	sbarrier.arrive $0xFFFF  }
0x200: {  	_ =	strace $0x90000047  }
0x201: {  	s0 =	stileid.u32;
	[bflag:$0x2] =	sbarrier.arrive $0xFFFF  }
0x202: {  	p0 =	sne.s32 s0, $0x0;
	s0 =	rddreg [dreg:$0x4]  }
0x203: {  	s0 =	sadd.s32 @!p0 $0x100000, s0  }
0x204: {  	[sflag:s0] =	ssyncadd.tile.s32 @!p0 $0x1;
	_ =	shalt  }
.Lfunc_end2:
_tile_overlayer_lowered:
.L_overlay_start_2:
0x205: {  	(tag) =	ssettag $0x2  }
0x206: {  	s0 =	rddreg [dreg:$0x0];
	s2 =	stileid.u32  }
0x207: {  	s1 =	rddreg [dreg:$0x1];
	p0 =	sne.s32 s2, $0x0  }
0x208: {  	s3 =	rddreg [dreg:$0x2];
	[bflag:$0x3] =	sbarrier.arrive $0xFFFF;
	s2 =	simm.s32 @!p0 $0x1C05  }
0x209: {  	[timem:s3], [sflag:s2] =	dma.local @!p0 [hbm:s0], s1  }
0x20a: {  	s0 =	simm.s32 @!p0 $0x5  }
0x20b: {  	_ =	swait.ge @!p0 [sflag:s0], s1  }
0x20c: {  	s1 =	ssub.s32 @!p0 $0x0, s1;
	[sflag:s0] =	ssyncset.done @!p0 $0x0  }
0x20d: {  	[sflag:s0] =	ssyncadd.s32 @!p0 s1  }
0x20e: {  	[bflag:$0x3] =	sbarrier.arrive $0xFFFF  }
0x20f: {  	_ =	shalt  }

</sc_bundles>
